<compile_context>
chip_gen: v7x
topology: tpu7x:2x2x1
jax: 0.10.2.dev20260603
libtpu: 0.0.44.dev20260713+nightly
codegen_flags: <defaults>
</compile_context>

<pallas_src>
import functools

import jax
import jax.numpy as jnp
from jax import lax
from jax.experimental import pallas as pl
from jax.experimental.pallas import tpu as pltpu
from jax.experimental.pallas import tpu_sc as plsc

K = 8192
D = 256
N = 9216
NH = N // 2
BETA = 0.25
EMA_DECAY = 0.99

KB0 = 512
NB = 256
KC = 2048

NC, NS = 2, 16
NW = NC * NS
BPW = NH // NW
GW = 48
NGC = BPW // GW


def _k0_body(e_ref, w_ref, b_ref, qc_ref, qct_ref, cnb_ref):
    e = e_ref[...]
    w = w_ref[...]
    qc = lax.dot_general(e, w, (((1,), (1,)), ((), ())),
                         preferred_element_type=jnp.float32)
    qc = qc + b_ref[...]
    qc_ref[...] = qc
    qct = qc.T
    qct_ref[...] = qct
    cn = jnp.sum(qct * qct, axis=0, keepdims=True)
    cnb_ref[...] = jnp.broadcast_to(cn, (8, KB0))


def _project(emb, w, b2d):
    return pl.pallas_call(
        _k0_body,
        grid=(K // KB0,),
        in_specs=[
            pl.BlockSpec((KB0, D), lambda i: (i, 0)),
            pl.BlockSpec((D, D), lambda i: (0, 0)),
            pl.BlockSpec((1, D), lambda i: (0, 0)),
        ],
        out_specs=[
            pl.BlockSpec((KB0, D), lambda i: (i, 0)),
            pl.BlockSpec((D, KB0), lambda i: (0, i)),
            pl.BlockSpec((8, KB0), lambda i: (0, i)),
        ],
        out_shape=[
            jax.ShapeDtypeStruct((K, D), jnp.float32),
            jax.ShapeDtypeStruct((D, K), jnp.float32),
            jax.ShapeDtypeStruct((8, K), jnp.float32),
        ],
    )(emb, w, b2d)


def _pair_tree(d, g, base):
    w = d.shape[1]
    while w > 128:
        half = w // 128 // 2
        nd, ng = [], []
        for j in range(half):
            a = d[:, (2 * j) * 128:(2 * j + 1) * 128]
            b = d[:, (2 * j + 1) * 128:(2 * j + 2) * 128]
            cmp = b < a
            nd.append(jnp.minimum(a, b))
            if g is None:
                ng.append(jnp.where(cmp, jnp.int32(base + 2 * j + 1),
                                    jnp.int32(base + 2 * j)))
            else:
                ga = g[:, (2 * j) * 128:(2 * j + 1) * 128]
                gb = g[:, (2 * j + 1) * 128:(2 * j + 2) * 128]
                ng.append(jnp.where(cmp, gb, ga))
        d = jnp.concatenate(nd, axis=1)
        g = jnp.concatenate(ng, axis=1)
        w //= 2
    return d, g


def _k1_body(z_ref, qct_ref, cnb_ref, idx_ref, mind_ref):
    z = z_ref[...]
    zn2 = jnp.sum(z * z, axis=1, keepdims=True)
    zm2 = -2.0 * z
    run_d = None
    run_g = None
    for c in range(K // KC):
        qct_c = qct_ref[:, c * KC:(c + 1) * KC]
        cn_c = cnb_ref[0:1, c * KC:(c + 1) * KC]
        dotm2 = jnp.dot(zm2, qct_c, preferred_element_type=jnp.float32)
        d = (zn2 + cn_c) + dotm2
        cd, cg = _pair_tree(d, None, c * (KC // 128))
        if run_d is None:
            run_d, run_g = cd, cg
        else:
            upd = cd < run_d
            run_d = jnp.where(upd, cd, run_d)
            run_g = jnp.where(upd, cg, run_g)
    lane = lax.broadcasted_iota(jnp.int32, (NB, 128), 1)
    col = run_g * 128 + lane
    best_min = jnp.min(run_d, axis=1, keepdims=True)
    best_idx = jnp.min(jnp.where(run_d == best_min, col, jnp.int32(2 ** 30)),
                       axis=1, keepdims=True)
    idx_ref[...] = best_idx
    mind_ref[...] = best_min


def _argmin_dist(z2d, qct, cnb):
    n_rows = z2d.shape[0]
    return pl.pallas_call(
        _k1_body,
        grid=(n_rows // NB,),
        in_specs=[
            pl.BlockSpec((NB, D), lambda i: (i, 0)),
            pl.BlockSpec((D, K), lambda i: (0, 0)),
            pl.BlockSpec((8, K), lambda i: (0, 0)),
        ],
        out_specs=[
            pl.BlockSpec((NB, 1), lambda i: (i, 0)),
            pl.BlockSpec((NB, 1), lambda i: (i, 0)),
        ],
        out_shape=[
            jax.ShapeDtypeStruct((n_rows, 1), jnp.int32),
            jax.ShapeDtypeStruct((n_rows, 1), jnp.float32),
        ],
    )(z2d, qct, cnb)


def _sc_body(qc_hbm, idx_hbm, ones_hbm, zeros_hbm, zq_hbm, hists_hbm,
             idx_v0, idx_v1, idx_v2, rows_v, ones_v, off_v, hist_v,
             shared_hist, gsem):
    c = lax.axis_index("c")
    s = lax.axis_index("s")
    wid = s * NC + c
    idx_vs = (idx_v0, idx_v1, idx_v2)
    handles = []
    for j in range(NGC):
        pltpu.sync_copy(idx_hbm.at[pl.ds(wid * BPW + j * GW, GW)], idx_vs[j])
        handles.append(
            pltpu.async_copy(qc_hbm.at[idx_vs[j]],
                             rows_v.at[pl.ds(j * GW, GW)], gsem))
    pltpu.sync_copy(zeros_hbm, hist_v)
    pltpu.sync_copy(hist_v, shared_hist.at[pl.ds(s * K, K)])
    pltpu.sync_copy(ones_hbm, ones_v)
    soff = s * K
    for j in range(NGC):
        for t in range(GW // 16):
            sl = pl.ds(t * 16, 16)
            off_v[sl] = idx_vs[j][sl] + soff
        pltpu.sync_copy(ones_v, shared_hist.at[off_v], add=True)
    pltpu.sync_copy(shared_hist.at[pl.ds(s * K, K)], hist_v)
    pltpu.sync_copy(hist_v, hists_hbm.at[pl.ds(wid * K, K)])
    for h in handles:
        h.wait()
    pltpu.sync_copy(rows_v, zq_hbm.at[pl.ds(wid * BPW, BPW)])


def _sc_gather_hist(qc, idx1d, ones, zeros):
    mesh = plsc.VectorSubcoreMesh(core_axis_name="c", subcore_axis_name="s")
    kern = pl.kernel(
        _sc_body,
        out_type=[
            jax.ShapeDtypeStruct((NH, D), jnp.float32),
            jax.ShapeDtypeStruct((NW * K,), jnp.float32),
        ],
        mesh=mesh,
        scratch_types=[
            pltpu.VMEM((GW,), jnp.int32),
            pltpu.VMEM((GW,), jnp.int32),
            pltpu.VMEM((GW,), jnp.int32),
            pltpu.VMEM((BPW, D), jnp.float32),
            pltpu.VMEM((GW,), jnp.float32),
            pltpu.VMEM((GW,), jnp.int32),
            pltpu.VMEM((K,), jnp.float32),
            pltpu.VMEM_SHARED((NS * K,), jnp.float32),
            pltpu.SemaphoreType.DMA,
        ],
    )
    return kern(qc, idx1d, ones, zeros)


def _k2_body(mind0_ref, mind1_ref, cnts0_ref, cnts1_ref, ema_ref, out_ref):
    counts = (jnp.sum(cnts0_ref[...], axis=0)
              + jnp.sum(cnts1_ref[...], axis=0))
    e_mean = counts / jnp.float32(N)
    perp = jnp.exp(-jnp.sum(e_mean * jnp.log(e_mean + 1e-10)))
    new_ema = ema_ref[...] * EMA_DECAY + (1.0 - EMA_DECAY) * e_mean
    ent = -jnp.sum(new_ema * jnp.log(new_ema + 1e-10))
    m = ((jnp.sum(mind0_ref[...]) + jnp.sum(mind1_ref[...]))
         / jnp.float32(N * D))
    loss = BETA * m + m
    sub = lax.broadcasted_iota(jnp.int32, (8, 128), 0)
    lane = lax.broadcasted_iota(jnp.int32, (8, 128), 1)
    r0 = sub == 0
    out_ref[...] = jnp.where(
        r0 & (lane == 0), loss,
        jnp.where(r0 & (lane == 1), perp,
                  jnp.where(r0 & (lane == 2), ent, 0.0))).astype(jnp.float32)


def _finalize(mind0, mind1, h0, h1, ema1):
    return pl.pallas_call(
        _k2_body,
        out_shape=jax.ShapeDtypeStruct((8, 128), jnp.float32),
    )(mind0, mind1, h0.reshape(NW, K), h1.reshape(NW, K), ema1)


@functools.partial(jax.jit)
def kernel(z, embedding_weight, proj_W, proj_b, ema_usage):
    z2d = z.reshape(N, D)
    b2d = proj_b.reshape(1, D)
    qc, qct, cnb = _project(embedding_weight, proj_W, b2d)
    idx0, mind0 = _argmin_dist(z2d[:NH], qct, cnb)
    ones = jnp.ones((GW,), jnp.float32)
    zeros = jnp.zeros((K,), jnp.float32)
    zq0, h0 = _sc_gather_hist(qc, idx0.reshape(NH), ones, zeros)
    idx1, mind1 = _argmin_dist(z2d[NH:], qct, cnb)
    zq1, h1 = _sc_gather_hist(qc, idx1.reshape(NH), ones, zeros)
    out2 = _finalize(mind0, mind1, h0, h1, ema_usage.reshape(1, K))
    zq = jnp.concatenate([zq0, zq1], axis=0)
    z_q_st = zq.reshape(z.shape)
    return (z_q_st, out2[0, 0], out2[0, 1], out2[0, 2])

# --- scband reference (transcript-rebuilt; emitter-appended) ---
"""Pipeline reference for scband-sim-vq-usage-41455024341704 (READ-ONLY COPY).

The authoritative reference and input builder live on the scoring server;
editing this copy changes nothing except your own understanding.
"""

import jax, jax.numpy as jnp
import numpy as np

CODEBOOK_SIZE = 8192
EMBED_DIM = 256
BETA = 0.25
EMA_DECAY = 0.99


def setup_inputs(seed: int = 0) -> dict:
    key = jax.random.key(seed)
    k1, k2, k3, k4 = jax.random.split(key, 4)
    z = jax.random.normal(k1, (16, 576, EMBED_DIM), dtype=jnp.float32)
    # nn.Embedding weight initialized normal(0, embedding_dim**-0.5)
    embedding_weight = jax.random.normal(k2, (CODEBOOK_SIZE, EMBED_DIM), dtype=jnp.float32) * (EMBED_DIM ** -0.5)
    # nn.Linear default init: uniform(-1/sqrt(in), 1/sqrt(in))
    lim = 1.0 / np.sqrt(EMBED_DIM)
    proj_W = jax.random.uniform(k3, (EMBED_DIM, EMBED_DIM), dtype=jnp.float32, minval=-lim, maxval=lim)
    proj_b = jax.random.uniform(k4, (EMBED_DIM,), dtype=jnp.float32, minval=-lim, maxval=lim)
    ema_usage = jnp.ones((CODEBOOK_SIZE,), dtype=jnp.float32) / CODEBOOK_SIZE
    return {"z": z, "embedding_weight": embedding_weight, "proj_W": proj_W, "proj_b": proj_b, "ema_usage": ema_usage}


def reference(z, embedding_weight, proj_W, proj_b, ema_usage):
    # embedding_proj: Linear(D, D) applied to frozen codebook
    quant_codebook = embedding_weight @ proj_W.T + proj_b  # [K, D]
    z_flat = z.reshape(-1, EMBED_DIM)  # [N, D]
    d = (
        jnp.sum(z_flat ** 2, axis=1, keepdims=True)
        + jnp.sum(quant_codebook ** 2, axis=1)
        - 2.0 * (z_flat @ quant_codebook.T)
    )  # [N, K]
    min_encoding_indices = jnp.argmin(d, axis=1)  # [N]
    z_q = jnp.take(quant_codebook, min_encoding_indices, axis=0).reshape(z.shape)
    codebook_counts = jnp.bincount(min_encoding_indices, minlength=CODEBOOK_SIZE, length=CODEBOOK_SIZE)
    e_mean = codebook_counts.astype(jnp.float32) / min_encoding_indices.size
    new_ema = ema_usage * EMA_DECAY + (1.0 - EMA_DECAY) * e_mean
    ema_entropy = -jnp.sum(new_ema * jnp.log(new_ema + 1e-10))
    perplexity = jnp.exp(-jnp.sum(e_mean * jnp.log(e_mean + 1e-10)))
    commit_loss = (
        BETA * jnp.mean((jax.lax.stop_gradient(z_q) - z) ** 2)
        + jnp.mean((z_q - jax.lax.stop_gradient(z)) ** 2)
    )
    z_q_st = z + jax.lax.stop_gradient(z_q - z)
    return (z_q_st, commit_loss, perplexity, ema_entropy)

if __name__ == "__main__":
    import jax
    _d = setup_inputs()
    print(jax.jit(kernel)(*tuple(_d.values())))

</pallas_src>

<mosaic_0001>
#map = affine_map<(d0, d1) -> (0, 0)>
#map1 = affine_map<(d0, d1) -> (0)>
module attributes {stable_mosaic.version = 14 : i64} {
  func.func @_sc_body(%arg0: i32, %arg1: i32, %arg2: memref<8192x256xf32, #tpu.memory_space<hbm>>, %arg3: memref<4608xi32, #tpu.memory_space<hbm>>, %arg4: memref<48xf32, #tpu.memory_space<hbm>>, %arg5: memref<8192xf32, #tpu.memory_space<hbm>>, %arg6: memref<4608x256xf32, #tpu.memory_space<hbm>>, %arg7: memref<262144xf32, #tpu.memory_space<hbm>>, %arg8: memref<48xi32, #tpu.memory_space<vmem>>, %arg9: memref<48xi32, #tpu.memory_space<vmem>>, %arg10: memref<48xi32, #tpu.memory_space<vmem>>, %arg11: memref<144x256xf32, #tpu.memory_space<vmem>>, %arg12: memref<48xf32, #tpu.memory_space<vmem>>, %arg13: memref<48xi32, #tpu.memory_space<vmem>>, %arg14: memref<8192xf32, #tpu.memory_space<vmem>>, %arg15: memref<131072xf32, #tpu.memory_space<vmem_shared>>, %arg16: memref<!tpu.dma_semaphore, #tpu.memory_space<semaphore_mem>>) attributes {dimension_semantics = [#tpu.dimension_semantics<core_parallel>, #tpu.dimension_semantics<subcore_parallel>], iteration_bounds = array<i64: 2, 16>, scalar_prefetch = 0 : i64, scratch_operands = 9 : i64, tpu.core_type = #tpu.core_type<sc_vector_subcore>, window_params = [{transform_indices = #map}, {transform_indices = #map1}, {transform_indices = #map1}, {transform_indices = #map1}, {transform_indices = #map}, {transform_indices = #map1}]} {
    %mul3A = arith.constant 2 : i32
    %mul3A_0 = arith.muli %arg1, %mul3A : i32
    %add3A = arith.addi %mul3A_0, %arg0 : i32
    %mul3A_1 = arith.constant 144 : i32
    %mul3A_2 = arith.muli %add3A, %mul3A_1 : i32
    %add3A_3 = arith.constant 0 : i32
    %add3A_4 = arith.addi %mul3A_2, %add3A_3 : i32
    "tpu.region"() ({
      %run_scoped3A = tpu.sem_alloc : memref<!tpu.dma_semaphore, #tpu.memory_space<semaphore_mem>>
      %dma_start3A_136 = tpu.memref_slice %arg3[%add3A_4] : memref<4608xi32, #tpu.memory_space<hbm>> -> memref<48xi32, #tpu.memory_space<hbm>>
      %dma_start3A_137 = tpu.memref_slice %arg3[%add3A_4] : memref<4608xi32, #tpu.memory_space<hbm>> -> memref<48xi32, #tpu.memory_space<hbm>>
      tpu.enqueue_dma source(%dma_start3A_137 : memref<48xi32, #tpu.memory_space<hbm>>) target(%arg8 : memref<48xi32, #tpu.memory_space<vmem>>) target_semaphore(%run_scoped3A : memref<!tpu.dma_semaphore, #tpu.memory_space<semaphore_mem>>)
      %dma_wait3A_138 = tpu.memref_slice %arg3[%add3A_4] : memref<4608xi32, #tpu.memory_space<hbm>> -> memref<48xi32, #tpu.memory_space<hbm>>
      %dma_wait3A_139 = tpu.memref_slice %arg3[%add3A_4] : memref<4608xi32, #tpu.memory_space<hbm>> -> memref<48xi32, #tpu.memory_space<hbm>>
      tpu.wait_dma2 semaphore(%run_scoped3A : memref<!tpu.dma_semaphore, #tpu.memory_space<semaphore_mem>>) src(%dma_wait3A_139 : memref<48xi32, #tpu.memory_space<hbm>>) dst(%arg8 : memref<48xi32, #tpu.memory_space<vmem>>)
      tpu.yield
    }) : () -> ()
    %dma_start3A = arith.constant 0 : i32
    %dma_start3A_5 = arith.constant 0 : i32
    %dma_start3A_6 = tpu.memref_slice %arg11[%dma_start3A, %dma_start3A_5] : memref<144x256xf32, #tpu.memory_space<vmem>> -> memref<48x256xf32, #tpu.memory_space<vmem>>
    %dma_start3A_7 = arith.constant 0 : i32
    %dma_start3A_8 = arith.constant 0 : i32
    %dma_start3A_9 = tpu.memref_slice %arg2[%dma_start3A_7, %dma_start3A_8] : memref<8192x256xf32, #tpu.memory_space<hbm>> -> memref<8192x256xf32, #tpu.memory_space<hbm>>
    tpu.enqueue_indirect_dma source(%dma_start3A_9 : memref<8192x256xf32, #tpu.memory_space<hbm>>) target(%dma_start3A_6 : memref<48x256xf32, #tpu.memory_space<vmem>>) offsets(%arg8 : memref<48xi32, #tpu.memory_space<vmem>>) semaphore(%arg16 : memref<!tpu.dma_semaphore, #tpu.memory_space<semaphore_mem>>)
    %mul3A_10 = arith.constant 144 : i32
    %mul3A_11 = arith.muli %add3A, %mul3A_10 : i32
    %add3A_12 = arith.constant 48 : i32
    %add3A_13 = arith.addi %mul3A_11, %add3A_12 : i32
    "tpu.region"() ({
      %run_scoped3A = tpu.sem_alloc : memref<!tpu.dma_semaphore, #tpu.memory_space<semaphore_mem>>
      %dma_start3A_136 = tpu.memref_slice %arg3[%add3A_13] : memref<4608xi32, #tpu.memory_space<hbm>> -> memref<48xi32, #tpu.memory_space<hbm>>
      %dma_start3A_137 = tpu.memref_slice %arg3[%add3A_13] : memref<4608xi32, #tpu.memory_space<hbm>> -> memref<48xi32, #tpu.memory_space<hbm>>
      tpu.enqueue_dma source(%dma_start3A_137 : memref<48xi32, #tpu.memory_space<hbm>>) target(%arg9 : memref<48xi32, #tpu.memory_space<vmem>>) target_semaphore(%run_scoped3A : memref<!tpu.dma_semaphore, #tpu.memory_space<semaphore_mem>>)
      %dma_wait3A_138 = tpu.memref_slice %arg3[%add3A_13] : memref<4608xi32, #tpu.memory_space<hbm>> -> memref<48xi32, #tpu.memory_space<hbm>>
      %dma_wait3A_139 = tpu.memref_slice %arg3[%add3A_13] : memref<4608xi32, #tpu.memory_space<hbm>> -> memref<48xi32, #tpu.memory_space<hbm>>
      tpu.wait_dma2 semaphore(%run_scoped3A : memref<!tpu.dma_semaphore, #tpu.memory_space<semaphore_mem>>) src(%dma_wait3A_139 : memref<48xi32, #tpu.memory_space<hbm>>) dst(%arg9 : memref<48xi32, #tpu.memory_space<vmem>>)
      tpu.yield
    }) : () -> ()
    %dma_start3A_14 = arith.constant 48 : i32
    %dma_start3A_15 = arith.constant 0 : i32
    %dma_start3A_16 = tpu.memref_slice %arg11[%dma_start3A_14, %dma_start3A_15] : memref<144x256xf32, #tpu.memory_space<vmem>> -> memref<48x256xf32, #tpu.memory_space<vmem>>
    %dma_start3A_17 = arith.constant 0 : i32
    %dma_start3A_18 = arith.constant 0 : i32
    %dma_start3A_19 = tpu.memref_slice %arg2[%dma_start3A_17, %dma_start3A_18] : memref<8192x256xf32, #tpu.memory_space<hbm>> -> memref<8192x256xf32, #tpu.memory_space<hbm>>
    tpu.enqueue_indirect_dma source(%dma_start3A_19 : memref<8192x256xf32, #tpu.memory_space<hbm>>) target(%dma_start3A_16 : memref<48x256xf32, #tpu.memory_space<vmem>>) offsets(%arg9 : memref<48xi32, #tpu.memory_space<vmem>>) semaphore(%arg16 : memref<!tpu.dma_semaphore, #tpu.memory_space<semaphore_mem>>)
    %mul3A_20 = arith.constant 144 : i32
    %mul3A_21 = arith.muli %add3A, %mul3A_20 : i32
    %add3A_22 = arith.constant 96 : i32
    %add3A_23 = arith.addi %mul3A_21, %add3A_22 : i32
    "tpu.region"() ({
      %run_scoped3A = tpu.sem_alloc : memref<!tpu.dma_semaphore, #tpu.memory_space<semaphore_mem>>
      %dma_start3A_136 = tpu.memref_slice %arg3[%add3A_23] : memref<4608xi32, #tpu.memory_space<hbm>> -> memref<48xi32, #tpu.memory_space<hbm>>
      %dma_start3A_137 = tpu.memref_slice %arg3[%add3A_23] : memref<4608xi32, #tpu.memory_space<hbm>> -> memref<48xi32, #tpu.memory_space<hbm>>
      tpu.enqueue_dma source(%dma_start3A_137 : memref<48xi32, #tpu.memory_space<hbm>>) target(%arg10 : memref<48xi32, #tpu.memory_space<vmem>>) target_semaphore(%run_scoped3A : memref<!tpu.dma_semaphore, #tpu.memory_space<semaphore_mem>>)
      %dma_wait3A_138 = tpu.memref_slice %arg3[%add3A_23] : memref<4608xi32, #tpu.memory_space<hbm>> -> memref<48xi32, #tpu.memory_space<hbm>>
      %dma_wait3A_139 = tpu.memref_slice %arg3[%add3A_23] : memref<4608xi32, #tpu.memory_space<hbm>> -> memref<48xi32, #tpu.memory_space<hbm>>
      tpu.wait_dma2 semaphore(%run_scoped3A : memref<!tpu.dma_semaphore, #tpu.memory_space<semaphore_mem>>) src(%dma_wait3A_139 : memref<48xi32, #tpu.memory_space<hbm>>) dst(%arg10 : memref<48xi32, #tpu.memory_space<vmem>>)
      tpu.yield
    }) : () -> ()
    %dma_start3A_24 = arith.constant 96 : i32
    %dma_start3A_25 = arith.constant 0 : i32
    %dma_start3A_26 = tpu.memref_slice %arg11[%dma_start3A_24, %dma_start3A_25] : memref<144x256xf32, #tpu.memory_space<vmem>> -> memref<48x256xf32, #tpu.memory_space<vmem>>
    %dma_start3A_27 = arith.constant 0 : i32
    %dma_start3A_28 = arith.constant 0 : i32
    %dma_start3A_29 = tpu.memref_slice %arg2[%dma_start3A_27, %dma_start3A_28] : memref<8192x256xf32, #tpu.memory_space<hbm>> -> memref<8192x256xf32, #tpu.memory_space<hbm>>
    tpu.enqueue_indirect_dma source(%dma_start3A_29 : memref<8192x256xf32, #tpu.memory_space<hbm>>) target(%dma_start3A_26 : memref<48x256xf32, #tpu.memory_space<vmem>>) offsets(%arg10 : memref<48xi32, #tpu.memory_space<vmem>>) semaphore(%arg16 : memref<!tpu.dma_semaphore, #tpu.memory_space<semaphore_mem>>)
    "tpu.region"() ({
      %run_scoped3A = tpu.sem_alloc : memref<!tpu.dma_semaphore, #tpu.memory_space<semaphore_mem>>
      tpu.enqueue_dma source(%arg5 : memref<8192xf32, #tpu.memory_space<hbm>>) target(%arg14 : memref<8192xf32, #tpu.memory_space<vmem>>) target_semaphore(%run_scoped3A : memref<!tpu.dma_semaphore, #tpu.memory_space<semaphore_mem>>)
      tpu.wait_dma2 semaphore(%run_scoped3A : memref<!tpu.dma_semaphore, #tpu.memory_space<semaphore_mem>>) src(%arg5 : memref<8192xf32, #tpu.memory_space<hbm>>) dst(%arg14 : memref<8192xf32, #tpu.memory_space<vmem>>)
      tpu.yield
    }) : () -> ()
    %mul3A_30 = arith.constant 8192 : i32
    %mul3A_31 = arith.muli %arg1, %mul3A_30 : i32
    "tpu.region"() ({
      %run_scoped3A = tpu.sem_alloc : memref<!tpu.dma_semaphore, #tpu.memory_space<semaphore_mem>>
      %dma_start3A_136 = tpu.memref_slice %arg15[%mul3A_31] : memref<131072xf32, #tpu.memory_space<vmem_shared>> -> memref<8192xf32, #tpu.memory_space<vmem_shared>>
      %dma_start3A_137 = tpu.memref_slice %arg15[%mul3A_31] : memref<131072xf32, #tpu.memory_space<vmem_shared>> -> memref<8192xf32, #tpu.memory_space<vmem_shared>>
      tpu.enqueue_dma source(%arg14 : memref<8192xf32, #tpu.memory_space<vmem>>) target(%dma_start3A_137 : memref<8192xf32, #tpu.memory_space<vmem_shared>>) target_semaphore(%run_scoped3A : memref<!tpu.dma_semaphore, #tpu.memory_space<semaphore_mem>>)
      %dma_wait3A_138 = tpu.memref_slice %arg15[%mul3A_31] : memref<131072xf32, #tpu.memory_space<vmem_shared>> -> memref<8192xf32, #tpu.memory_space<vmem_shared>>
      %dma_wait3A_139 = tpu.memref_slice %arg15[%mul3A_31] : memref<131072xf32, #tpu.memory_space<vmem_shared>> -> memref<8192xf32, #tpu.memory_space<vmem_shared>>
      tpu.wait_dma2 semaphore(%run_scoped3A : memref<!tpu.dma_semaphore, #tpu.memory_space<semaphore_mem>>) src(%arg14 : memref<8192xf32, #tpu.memory_space<vmem>>) dst(%dma_wait3A_139 : memref<8192xf32, #tpu.memory_space<vmem_shared>>)
      tpu.yield
    }) : () -> ()
    "tpu.region"() ({
      %run_scoped3A = tpu.sem_alloc : memref<!tpu.dma_semaphore, #tpu.memory_space<semaphore_mem>>
      tpu.enqueue_dma source(%arg4 : memref<48xf32, #tpu.memory_space<hbm>>) target(%arg12 : memref<48xf32, #tpu.memory_space<vmem>>) target_semaphore(%run_scoped3A : memref<!tpu.dma_semaphore, #tpu.memory_space<semaphore_mem>>)
      tpu.wait_dma2 semaphore(%run_scoped3A : memref<!tpu.dma_semaphore, #tpu.memory_space<semaphore_mem>>) src(%arg4 : memref<48xf32, #tpu.memory_space<hbm>>) dst(%arg12 : memref<48xf32, #tpu.memory_space<vmem>>)
      tpu.yield
    }) : () -> ()
    %mul3A_32 = arith.constant 8192 : i32
    %mul3A_33 = arith.muli %arg1, %mul3A_32 : i32
    %get3A = arith.constant 0 : index
    %get3A_34 = tpu.vector_load %arg8[%get3A] {strides = array<i32>} : memref<48xi32, #tpu.memory_space<vmem>>, vector<16xi32>,
    %get3A_35 = vector.shape_cast %get3A_34 : vector<16xi32> to vector<16xi32>
    %add3A_36 = vector.broadcast %mul3A_33 : i32 to vector<16xi32>
    %add3A_37 = arith.addi %get3A_35, %add3A_36 : vector<16xi32>
    %swap3A = arith.constant 0 : index
    %swap3A_38 = tpu.vector_load %arg13[%swap3A] {strides = array<i32>} : memref<48xi32, #tpu.memory_space<vmem>>, vector<16xi32>,
    %swap3A_39 = vector.shape_cast %swap3A_38 : vector<16xi32> to vector<16xi32>
    %swap3A_40 = vector.shape_cast %add3A_37 : vector<16xi32> to vector<16xi32>
    tpu.vector_store %arg13[%swap3A], %swap3A_40 {strides = array<i32>} : memref<48xi32, #tpu.memory_space<vmem>>, vector<16xi32>,
    %get3A_41 = arith.constant 16 : index
    %get3A_42 = tpu.vector_load %arg8[%get3A_41] {strides = array<i32>} : memref<48xi32, #tpu.memory_space<vmem>>, vector<16xi32>,
    %get3A_43 = vector.shape_cast %get3A_42 : vector<16xi32> to vector<16xi32>
    %add3A_44 = vector.broadcast %mul3A_33 : i32 to vector<16xi32>
    %add3A_45 = arith.addi %get3A_43, %add3A_44 : vector<16xi32>
    %swap3A_46 = arith.constant 16 : index
    %swap3A_47 = tpu.vector_load %arg13[%swap3A_46] {strides = array<i32>} : memref<48xi32, #tpu.memory_space<vmem>>, vector<16xi32>,
    %swap3A_48 = vector.shape_cast %swap3A_47 : vector<16xi32> to vector<16xi32>
    %swap3A_49 = vector.shape_cast %add3A_45 : vector<16xi32> to vector<16xi32>
    tpu.vector_store %arg13[%swap3A_46], %swap3A_49 {strides = array<i32>} : memref<48xi32, #tpu.memory_space<vmem>>, vector<16xi32>,
    %get3A_50 = arith.constant 32 : index
    %get3A_51 = tpu.vector_load %arg8[%get3A_50] {strides = array<i32>} : memref<48xi32, #tpu.memory_space<vmem>>, vector<16xi32>,
    %get3A_52 = vector.shape_cast %get3A_51 : vector<16xi32> to vector<16xi32>
    %add3A_53 = vector.broadcast %mul3A_33 : i32 to vector<16xi32>
    %add3A_54 = arith.addi %get3A_52, %add3A_53 : vector<16xi32>
    %swap3A_55 = arith.constant 32 : index
    %swap3A_56 = tpu.vector_load %arg13[%swap3A_55] {strides = array<i32>} : memref<48xi32, #tpu.memory_space<vmem>>, vector<16xi32>,
    %swap3A_57 = vector.shape_cast %swap3A_56 : vector<16xi32> to vector<16xi32>
    %swap3A_58 = vector.shape_cast %add3A_54 : vector<16xi32> to vector<16xi32>
    tpu.vector_store %arg13[%swap3A_55], %swap3A_58 {strides = array<i32>} : memref<48xi32, #tpu.memory_space<vmem>>, vector<16xi32>,
    "tpu.region"() ({
      %run_scoped3A = tpu.sem_alloc : memref<!tpu.dma_semaphore, #tpu.memory_space<semaphore_mem>>
      %dma_start3A_136 = arith.constant 0 : i32
      %dma_start3A_137 = tpu.memref_slice %arg15[%dma_start3A_136] : memref<131072xf32, #tpu.memory_space<vmem_shared>> -> memref<131072xf32, #tpu.memory_space<vmem_shared>>
      tpu.enqueue_indirect_dma source(%arg12 : memref<48xf32, #tpu.memory_space<vmem>>) target(%dma_start3A_137 : memref<131072xf32, #tpu.memory_space<vmem_shared>>) offsets(%arg13 : memref<48xi32, #tpu.memory_space<vmem>>) semaphore(%run_scoped3A : memref<!tpu.dma_semaphore, #tpu.memory_space<semaphore_mem>>) {add = true}
      %dma_wait3A_138 = arith.constant 0 : i32
      %dma_wait3A_139 = tpu.memref_slice %arg15[%dma_wait3A_138] : memref<131072xf32, #tpu.memory_space<vmem_shared>> -> memref<131072xf32, #tpu.memory_space<vmem_shared>>
      tpu.wait_indirect_dma semaphore(%run_scoped3A : memref<!tpu.dma_semaphore, #tpu.memory_space<semaphore_mem>>) src(%arg12 : memref<48xf32, #tpu.memory_space<vmem>>) dst(%dma_wait3A_139 : memref<131072xf32, #tpu.memory_space<vmem_shared>>)
      tpu.yield
    }) : () -> ()
    %get3A_59 = arith.constant 0 : index
    %get3A_60 = tpu.vector_load %arg9[%get3A_59] {strides = array<i32>} : memref<48xi32, #tpu.memory_space<vmem>>, vector<16xi32>,
    %get3A_61 = vector.shape_cast %get3A_60 : vector<16xi32> to vector<16xi32>
    %add3A_62 = vector.broadcast %mul3A_33 : i32 to vector<16xi32>
    %add3A_63 = arith.addi %get3A_61, %add3A_62 : vector<16xi32>
    %swap3A_64 = arith.constant 0 : index
    %swap3A_65 = tpu.vector_load %arg13[%swap3A_64] {strides = array<i32>} : memref<48xi32, #tpu.memory_space<vmem>>, vector<16xi32>,
    %swap3A_66 = vector.shape_cast %swap3A_65 : vector<16xi32> to vector<16xi32>
    %swap3A_67 = vector.shape_cast %add3A_63 : vector<16xi32> to vector<16xi32>
    tpu.vector_store %arg13[%swap3A_64], %swap3A_67 {strides = array<i32>} : memref<48xi32, #tpu.memory_space<vmem>>, vector<16xi32>,
    %get3A_68 = arith.constant 16 : index
    %get3A_69 = tpu.vector_load %arg9[%get3A_68] {strides = array<i32>} : memref<48xi32, #tpu.memory_space<vmem>>, vector<16xi32>,
    %get3A_70 = vector.shape_cast %get3A_69 : vector<16xi32> to vector<16xi32>
    %add3A_71 = vector.broadcast %mul3A_33 : i32 to vector<16xi32>
    %add3A_72 = arith.addi %get3A_70, %add3A_71 : vector<16xi32>
    %swap3A_73 = arith.constant 16 : index
    %swap3A_74 = tpu.vector_load %arg13[%swap3A_73] {strides = array<i32>} : memref<48xi32, #tpu.memory_space<vmem>>, vector<16xi32>,
    %swap3A_75 = vector.shape_cast %swap3A_74 : vector<16xi32> to vector<16xi32>
    %swap3A_76 = vector.shape_cast %add3A_72 : vector<16xi32> to vector<16xi32>
    tpu.vector_store %arg13[%swap3A_73], %swap3A_76 {strides = array<i32>} : memref<48xi32, #tpu.memory_space<vmem>>, vector<16xi32>,
    %get3A_77 = arith.constant 32 : index
    %get3A_78 = tpu.vector_load %arg9[%get3A_77] {strides = array<i32>} : memref<48xi32, #tpu.memory_space<vmem>>, vector<16xi32>,
    %get3A_79 = vector.shape_cast %get3A_78 : vector<16xi32> to vector<16xi32>
    %add3A_80 = vector.broadcast %mul3A_33 : i32 to vector<16xi32>
    %add3A_81 = arith.addi %get3A_79, %add3A_80 : vector<16xi32>
    %swap3A_82 = arith.constant 32 : index
    %swap3A_83 = tpu.vector_load %arg13[%swap3A_82] {strides = array<i32>} : memref<48xi32, #tpu.memory_space<vmem>>, vector<16xi32>,
    %swap3A_84 = vector.shape_cast %swap3A_83 : vector<16xi32> to vector<16xi32>
    %swap3A_85 = vector.shape_cast %add3A_81 : vector<16xi32> to vector<16xi32>
    tpu.vector_store %arg13[%swap3A_82], %swap3A_85 {strides = array<i32>} : memref<48xi32, #tpu.memory_space<vmem>>, vector<16xi32>,
    "tpu.region"() ({
      %run_scoped3A = tpu.sem_alloc : memref<!tpu.dma_semaphore, #tpu.memory_space<semaphore_mem>>
      %dma_start3A_136 = arith.constant 0 : i32
      %dma_start3A_137 = tpu.memref_slice %arg15[%dma_start3A_136] : memref<131072xf32, #tpu.memory_space<vmem_shared>> -> memref<131072xf32, #tpu.memory_space<vmem_shared>>
      tpu.enqueue_indirect_dma source(%arg12 : memref<48xf32, #tpu.memory_space<vmem>>) target(%dma_start3A_137 : memref<131072xf32, #tpu.memory_space<vmem_shared>>) offsets(%arg13 : memref<48xi32, #tpu.memory_space<vmem>>) semaphore(%run_scoped3A : memref<!tpu.dma_semaphore, #tpu.memory_space<semaphore_mem>>) {add = true}
      %dma_wait3A_138 = arith.constant 0 : i32
      %dma_wait3A_139 = tpu.memref_slice %arg15[%dma_wait3A_138] : memref<131072xf32, #tpu.memory_space<vmem_shared>> -> memref<131072xf32, #tpu.memory_space<vmem_shared>>
      tpu.wait_indirect_dma semaphore(%run_scoped3A : memref<!tpu.dma_semaphore, #tpu.memory_space<semaphore_mem>>) src(%arg12 : memref<48xf32, #tpu.memory_space<vmem>>) dst(%dma_wait3A_139 : memref<131072xf32, #tpu.memory_space<vmem_shared>>)
      tpu.yield
    }) : () -> ()
    %get3A_86 = arith.constant 0 : index
    %get3A_87 = tpu.vector_load %arg10[%get3A_86] {strides = array<i32>} : memref<48xi32, #tpu.memory_space<vmem>>, vector<16xi32>,
    %get3A_88 = vector.shape_cast %get3A_87 : vector<16xi32> to vector<16xi32>
    %add3A_89 = vector.broadcast %mul3A_33 : i32 to vector<16xi32>
    %add3A_90 = arith.addi %get3A_88, %add3A_89 : vector<16xi32>
    %swap3A_91 = arith.constant 0 : index
    %swap3A_92 = tpu.vector_load %arg13[%swap3A_91] {strides = array<i32>} : memref<48xi32, #tpu.memory_space<vmem>>, vector<16xi32>,
    %swap3A_93 = vector.shape_cast %swap3A_92 : vector<16xi32> to vector<16xi32>
    %swap3A_94 = vector.shape_cast %add3A_90 : vector<16xi32> to vector<16xi32>
    tpu.vector_store %arg13[%swap3A_91], %swap3A_94 {strides = array<i32>} : memref<48xi32, #tpu.memory_space<vmem>>, vector<16xi32>,
    %get3A_95 = arith.constant 16 : index
    %get3A_96 = tpu.vector_load %arg10[%get3A_95] {strides = array<i32>} : memref<48xi32, #tpu.memory_space<vmem>>, vector<16xi32>,
    %get3A_97 = vector.shape_cast %get3A_96 : vector<16xi32> to vector<16xi32>
    %add3A_98 = vector.broadcast %mul3A_33 : i32 to vector<16xi32>
    %add3A_99 = arith.addi %get3A_97, %add3A_98 : vector<16xi32>
    %swap3A_100 = arith.constant 16 : index
    %swap3A_101 = tpu.vector_load %arg13[%swap3A_100] {strides = array<i32>} : memref<48xi32, #tpu.memory_space<vmem>>, vector<16xi32>,
    %swap3A_102 = vector.shape_cast %swap3A_101 : vector<16xi32> to vector<16xi32>
    %swap3A_103 = vector.shape_cast %add3A_99 : vector<16xi32> to vector<16xi32>
    tpu.vector_store %arg13[%swap3A_100], %swap3A_103 {strides = array<i32>} : memref<48xi32, #tpu.memory_space<vmem>>, vector<16xi32>,
    %get3A_104 = arith.constant 32 : index
    %get3A_105 = tpu.vector_load %arg10[%get3A_104] {strides = array<i32>} : memref<48xi32, #tpu.memory_space<vmem>>, vector<16xi32>,
    %get3A_106 = vector.shape_cast %get3A_105 : vector<16xi32> to vector<16xi32>
    %add3A_107 = vector.broadcast %mul3A_33 : i32 to vector<16xi32>
    %add3A_108 = arith.addi %get3A_106, %add3A_107 : vector<16xi32>
    %swap3A_109 = arith.constant 32 : index
    %swap3A_110 = tpu.vector_load %arg13[%swap3A_109] {strides = array<i32>} : memref<48xi32, #tpu.memory_space<vmem>>, vector<16xi32>,
    %swap3A_111 = vector.shape_cast %swap3A_110 : vector<16xi32> to vector<16xi32>
    %swap3A_112 = vector.shape_cast %add3A_108 : vector<16xi32> to vector<16xi32>
    tpu.vector_store %arg13[%swap3A_109], %swap3A_112 {strides = array<i32>} : memref<48xi32, #tpu.memory_space<vmem>>, vector<16xi32>,
    "tpu.region"() ({
      %run_scoped3A = tpu.sem_alloc : memref<!tpu.dma_semaphore, #tpu.memory_space<semaphore_mem>>
      %dma_start3A_136 = arith.constant 0 : i32
      %dma_start3A_137 = tpu.memref_slice %arg15[%dma_start3A_136] : memref<131072xf32, #tpu.memory_space<vmem_shared>> -> memref<131072xf32, #tpu.memory_space<vmem_shared>>
      tpu.enqueue_indirect_dma source(%arg12 : memref<48xf32, #tpu.memory_space<vmem>>) target(%dma_start3A_137 : memref<131072xf32, #tpu.memory_space<vmem_shared>>) offsets(%arg13 : memref<48xi32, #tpu.memory_space<vmem>>) semaphore(%run_scoped3A : memref<!tpu.dma_semaphore, #tpu.memory_space<semaphore_mem>>) {add = true}
      %dma_wait3A_138 = arith.constant 0 : i32
      %dma_wait3A_139 = tpu.memref_slice %arg15[%dma_wait3A_138] : memref<131072xf32, #tpu.memory_space<vmem_shared>> -> memref<131072xf32, #tpu.memory_space<vmem_shared>>
      tpu.wait_indirect_dma semaphore(%run_scoped3A : memref<!tpu.dma_semaphore, #tpu.memory_space<semaphore_mem>>) src(%arg12 : memref<48xf32, #tpu.memory_space<vmem>>) dst(%dma_wait3A_139 : memref<131072xf32, #tpu.memory_space<vmem_shared>>)
      tpu.yield
    }) : () -> ()
    %mul3A_113 = arith.constant 8192 : i32
    %mul3A_114 = arith.muli %arg1, %mul3A_113 : i32
    "tpu.region"() ({
      %run_scoped3A = tpu.sem_alloc : memref<!tpu.dma_semaphore, #tpu.memory_space<semaphore_mem>>
      %dma_start3A_136 = tpu.memref_slice %arg15[%mul3A_114] : memref<131072xf32, #tpu.memory_space<vmem_shared>> -> memref<8192xf32, #tpu.memory_space<vmem_shared>>
      %dma_start3A_137 = tpu.memref_slice %arg15[%mul3A_114] : memref<131072xf32, #tpu.memory_space<vmem_shared>> -> memref<8192xf32, #tpu.memory_space<vmem_shared>>
      tpu.enqueue_dma source(%dma_start3A_137 : memref<8192xf32, #tpu.memory_space<vmem_shared>>) target(%arg14 : memref<8192xf32, #tpu.memory_space<vmem>>) target_semaphore(%run_scoped3A : memref<!tpu.dma_semaphore, #tpu.memory_space<semaphore_mem>>)
      %dma_wait3A_138 = tpu.memref_slice %arg15[%mul3A_114] : memref<131072xf32, #tpu.memory_space<vmem_shared>> -> memref<8192xf32, #tpu.memory_space<vmem_shared>>
      %dma_wait3A_139 = tpu.memref_slice %arg15[%mul3A_114] : memref<131072xf32, #tpu.memory_space<vmem_shared>> -> memref<8192xf32, #tpu.memory_space<vmem_shared>>
      tpu.wait_dma2 semaphore(%run_scoped3A : memref<!tpu.dma_semaphore, #tpu.memory_space<semaphore_mem>>) src(%dma_wait3A_139 : memref<8192xf32, #tpu.memory_space<vmem_shared>>) dst(%arg14 : memref<8192xf32, #tpu.memory_space<vmem>>)
      tpu.yield
    }) : () -> ()
    %mul3A_115 = arith.constant 8192 : i32
    %mul3A_116 = arith.muli %add3A, %mul3A_115 : i32
    "tpu.region"() ({
      %run_scoped3A = tpu.sem_alloc : memref<!tpu.dma_semaphore, #tpu.memory_space<semaphore_mem>>
      %dma_start3A_136 = tpu.memref_slice %arg7[%mul3A_116] : memref<262144xf32, #tpu.memory_space<hbm>> -> memref<8192xf32, #tpu.memory_space<hbm>>
      %dma_start3A_137 = tpu.memref_slice %arg7[%mul3A_116] : memref<262144xf32, #tpu.memory_space<hbm>> -> memref<8192xf32, #tpu.memory_space<hbm>>
      tpu.enqueue_dma source(%arg14 : memref<8192xf32, #tpu.memory_space<vmem>>) target(%dma_start3A_137 : memref<8192xf32, #tpu.memory_space<hbm>>) target_semaphore(%run_scoped3A : memref<!tpu.dma_semaphore, #tpu.memory_space<semaphore_mem>>)
      %dma_wait3A_138 = tpu.memref_slice %arg7[%mul3A_116] : memref<262144xf32, #tpu.memory_space<hbm>> -> memref<8192xf32, #tpu.memory_space<hbm>>
      %dma_wait3A_139 = tpu.memref_slice %arg7[%mul3A_116] : memref<262144xf32, #tpu.memory_space<hbm>> -> memref<8192xf32, #tpu.memory_space<hbm>>
      tpu.wait_dma2 semaphore(%run_scoped3A : memref<!tpu.dma_semaphore, #tpu.memory_space<semaphore_mem>>) src(%arg14 : memref<8192xf32, #tpu.memory_space<vmem>>) dst(%dma_wait3A_139 : memref<8192xf32, #tpu.memory_space<hbm>>)
      tpu.yield
    }) : () -> ()
    %dma_wait3A = arith.constant 0 : i32
    %dma_wait3A_117 = arith.constant 0 : i32
    %dma_wait3A_118 = tpu.memref_slice %arg11[%dma_wait3A, %dma_wait3A_117] : memref<144x256xf32, #tpu.memory_space<vmem>> -> memref<48x256xf32, #tpu.memory_space<vmem>>
    %dma_wait3A_119 = arith.constant 0 : i32
    %dma_wait3A_120 = arith.constant 0 : i32
    %dma_wait3A_121 = tpu.memref_slice %arg2[%dma_wait3A_119, %dma_wait3A_120] : memref<8192x256xf32, #tpu.memory_space<hbm>> -> memref<8192x256xf32, #tpu.memory_space<hbm>>
    tpu.wait_indirect_dma semaphore(%arg16 : memref<!tpu.dma_semaphore, #tpu.memory_space<semaphore_mem>>) src(%dma_wait3A_121 : memref<8192x256xf32, #tpu.memory_space<hbm>>) dst(%dma_wait3A_118 : memref<48x256xf32, #tpu.memory_space<vmem>>)
    %dma_wait3A_122 = arith.constant 48 : i32
    %dma_wait3A_123 = arith.constant 0 : i32
    %dma_wait3A_124 = tpu.memref_slice %arg11[%dma_wait3A_122, %dma_wait3A_123] : memref<144x256xf32, #tpu.memory_space<vmem>> -> memref<48x256xf32, #tpu.memory_space<vmem>>
    %dma_wait3A_125 = arith.constant 0 : i32
    %dma_wait3A_126 = arith.constant 0 : i32
    %dma_wait3A_127 = tpu.memref_slice %arg2[%dma_wait3A_125, %dma_wait3A_126] : memref<8192x256xf32, #tpu.memory_space<hbm>> -> memref<8192x256xf32, #tpu.memory_space<hbm>>
    tpu.wait_indirect_dma semaphore(%arg16 : memref<!tpu.dma_semaphore, #tpu.memory_space<semaphore_mem>>) src(%dma_wait3A_127 : memref<8192x256xf32, #tpu.memory_space<hbm>>) dst(%dma_wait3A_124 : memref<48x256xf32, #tpu.memory_space<vmem>>)
    %dma_wait3A_128 = arith.constant 96 : i32
    %dma_wait3A_129 = arith.constant 0 : i32
    %dma_wait3A_130 = tpu.memref_slice %arg11[%dma_wait3A_128, %dma_wait3A_129] : memref<144x256xf32, #tpu.memory_space<vmem>> -> memref<48x256xf32, #tpu.memory_space<vmem>>
    %dma_wait3A_131 = arith.constant 0 : i32
    %dma_wait3A_132 = arith.constant 0 : i32
    %dma_wait3A_133 = tpu.memref_slice %arg2[%dma_wait3A_131, %dma_wait3A_132] : memref<8192x256xf32, #tpu.memory_space<hbm>> -> memref<8192x256xf32, #tpu.memory_space<hbm>>
    tpu.wait_indirect_dma semaphore(%arg16 : memref<!tpu.dma_semaphore, #tpu.memory_space<semaphore_mem>>) src(%dma_wait3A_133 : memref<8192x256xf32, #tpu.memory_space<hbm>>) dst(%dma_wait3A_130 : memref<48x256xf32, #tpu.memory_space<vmem>>)
    %mul3A_134 = arith.constant 144 : i32
    %mul3A_135 = arith.muli %add3A, %mul3A_134 : i32
    "tpu.region"() ({
      %run_scoped3A = tpu.sem_alloc : memref<!tpu.dma_semaphore, #tpu.memory_space<semaphore_mem>>
      %dma_start3A_136 = arith.constant 0 : i32
      %dma_start3A_137 = tpu.memref_slice %arg6[%mul3A_135, %dma_start3A_136] : memref<4608x256xf32, #tpu.memory_space<hbm>> -> memref<144x256xf32, #tpu.memory_space<hbm>>
      %dma_start3A_138 = arith.constant 0 : i32
      %dma_start3A_139 = tpu.memref_slice %arg6[%mul3A_135, %dma_start3A_138] : memref<4608x256xf32, #tpu.memory_space<hbm>> -> memref<144x256xf32, #tpu.memory_space<hbm>>
      tpu.enqueue_dma source(%arg11 : memref<144x256xf32, #tpu.memory_space<vmem>>) target(%dma_start3A_139 : memref<144x256xf32, #tpu.memory_space<hbm>>) target_semaphore(%run_scoped3A : memref<!tpu.dma_semaphore, #tpu.memory_space<semaphore_mem>>)
      %dma_wait3A_140 = arith.constant 0 : i32
      %dma_wait3A_141 = tpu.memref_slice %arg6[%mul3A_135, %dma_wait3A_140] : memref<4608x256xf32, #tpu.memory_space<hbm>> -> memref<144x256xf32, #tpu.memory_space<hbm>>
      %dma_wait3A_142 = arith.constant 0 : i32
      %dma_wait3A_143 = tpu.memref_slice %arg6[%mul3A_135, %dma_wait3A_142] : memref<4608x256xf32, #tpu.memory_space<hbm>> -> memref<144x256xf32, #tpu.memory_space<hbm>>
      tpu.wait_dma2 semaphore(%run_scoped3A : memref<!tpu.dma_semaphore, #tpu.memory_space<semaphore_mem>>) src(%arg11 : memref<144x256xf32, #tpu.memory_space<vmem>>) dst(%dma_wait3A_143 : memref<144x256xf32, #tpu.memory_space<hbm>>)
      tpu.yield
    }) : () -> ()
    return
  }
}

#map = affine_map<(d0, d1) -> (0, 0)>
#map1 = affine_map<(d0, d1) -> (0)>
module attributes {stable_mosaic.version = 14 : i64} {
  func.func @_sc_body(%arg0: i32, %arg1: i32, %arg2: memref<8192x256xf32, #tpu.memory_space<hbm>>, %arg3: memref<4608xi32, #tpu.memory_space<hbm>>, %arg4: memref<48xf32, #tpu.memory_space<hbm>>, %arg5: memref<8192xf32, #tpu.memory_space<hbm>>, %arg6: memref<4608x256xf32, #tpu.memory_space<hbm>>, %arg7: memref<262144xf32, #tpu.memory_space<hbm>>, %arg8: memref<48xi32, #tpu.memory_space<vmem>>, %arg9: memref<48xi32, #tpu.memory_space<vmem>>, %arg10: memref<48xi32, #tpu.memory_space<vmem>>, %arg11: memref<144x256xf32, #tpu.memory_space<vmem>>, %arg12: memref<48xf32, #tpu.memory_space<vmem>>, %arg13: memref<48xi32, #tpu.memory_space<vmem>>, %arg14: memref<8192xf32, #tpu.memory_space<vmem>>, %arg15: memref<131072xf32, #tpu.memory_space<vmem_shared>>, %arg16: memref<!tpu.dma_semaphore, #tpu.memory_space<semaphore_mem>>) attributes {dimension_semantics = [#tpu.dimension_semantics<core_parallel>, #tpu.dimension_semantics<subcore_parallel>], iteration_bounds = array<i64: 2, 16>, scalar_prefetch = 0 : i64, scratch_operands = 9 : i64, tpu.core_type = #tpu.core_type<sc_vector_subcore>, window_params = [{transform_indices = #map}, {transform_indices = #map1}, {transform_indices = #map1}, {transform_indices = #map1}, {transform_indices = #map}, {transform_indices = #map1}]} {
    %mul3A = arith.constant 2 : i32
    %mul3A_0 = arith.muli %arg1, %mul3A : i32
    %add3A = arith.addi %mul3A_0, %arg0 : i32
    %mul3A_1 = arith.constant 144 : i32
    %mul3A_2 = arith.muli %add3A, %mul3A_1 : i32
    %add3A_3 = arith.constant 0 : i32
    %add3A_4 = arith.addi %mul3A_2, %add3A_3 : i32
    "tpu.region"() ({
      %run_scoped3A = tpu.sem_alloc : memref<!tpu.dma_semaphore, #tpu.memory_space<semaphore_mem>>
      %dma_start3A_136 = tpu.memref_slice %arg3[%add3A_4] : memref<4608xi32, #tpu.memory_space<hbm>> -> memref<48xi32, #tpu.memory_space<hbm>>
      %dma_start3A_137 = tpu.memref_slice %arg3[%add3A_4] : memref<4608xi32, #tpu.memory_space<hbm>> -> memref<48xi32, #tpu.memory_space<hbm>>
      tpu.enqueue_dma source(%dma_start3A_137 : memref<48xi32, #tpu.memory_space<hbm>>) target(%arg8 : memref<48xi32, #tpu.memory_space<vmem>>) target_semaphore(%run_scoped3A : memref<!tpu.dma_semaphore, #tpu.memory_space<semaphore_mem>>)
      %dma_wait3A_138 = tpu.memref_slice %arg3[%add3A_4] : memref<4608xi32, #tpu.memory_space<hbm>> -> memref<48xi32, #tpu.memory_space<hbm>>
      %dma_wait3A_139 = tpu.memref_slice %arg3[%add3A_4] : memref<4608xi32, #tpu.memory_space<hbm>> -> memref<48xi32, #tpu.memory_space<hbm>>
      tpu.wait_dma2 semaphore(%run_scoped3A : memref<!tpu.dma_semaphore, #tpu.memory_space<semaphore_mem>>) src(%dma_wait3A_139 : memref<48xi32, #tpu.memory_space<hbm>>) dst(%arg8 : memref<48xi32, #tpu.memory_space<vmem>>)
      tpu.yield
    }) : () -> ()
    %dma_start3A = arith.constant 0 : i32
    %dma_start3A_5 = arith.constant 0 : i32
    %dma_start3A_6 = tpu.memref_slice %arg11[%dma_start3A, %dma_start3A_5] : memref<144x256xf32, #tpu.memory_space<vmem>> -> memref<48x256xf32, #tpu.memory_space<vmem>>
    %dma_start3A_7 = arith.constant 0 : i32
    %dma_start3A_8 = arith.constant 0 : i32
    %dma_start3A_9 = tpu.memref_slice %arg2[%dma_start3A_7, %dma_start3A_8] : memref<8192x256xf32, #tpu.memory_space<hbm>> -> memref<8192x256xf32, #tpu.memory_space<hbm>>
    tpu.enqueue_indirect_dma source(%dma_start3A_9 : memref<8192x256xf32, #tpu.memory_space<hbm>>) target(%dma_start3A_6 : memref<48x256xf32, #tpu.memory_space<vmem>>) offsets(%arg8 : memref<48xi32, #tpu.memory_space<vmem>>) semaphore(%arg16 : memref<!tpu.dma_semaphore, #tpu.memory_space<semaphore_mem>>)
    %mul3A_10 = arith.constant 144 : i32
    %mul3A_11 = arith.muli %add3A, %mul3A_10 : i32
    %add3A_12 = arith.constant 48 : i32
    %add3A_13 = arith.addi %mul3A_11, %add3A_12 : i32
    "tpu.region"() ({
      %run_scoped3A = tpu.sem_alloc : memref<!tpu.dma_semaphore, #tpu.memory_space<semaphore_mem>>
      %dma_start3A_136 = tpu.memref_slice %arg3[%add3A_13] : memref<4608xi32, #tpu.memory_space<hbm>> -> memref<48xi32, #tpu.memory_space<hbm>>
      %dma_start3A_137 = tpu.memref_slice %arg3[%add3A_13] : memref<4608xi32, #tpu.memory_space<hbm>> -> memref<48xi32, #tpu.memory_space<hbm>>
      tpu.enqueue_dma source(%dma_start3A_137 : memref<48xi32, #tpu.memory_space<hbm>>) target(%arg9 : memref<48xi32, #tpu.memory_space<vmem>>) target_semaphore(%run_scoped3A : memref<!tpu.dma_semaphore, #tpu.memory_space<semaphore_mem>>)
      %dma_wait3A_138 = tpu.memref_slice %arg3[%add3A_13] : memref<4608xi32, #tpu.memory_space<hbm>> -> memref<48xi32, #tpu.memory_space<hbm>>
      %dma_wait3A_139 = tpu.memref_slice %arg3[%add3A_13] : memref<4608xi32, #tpu.memory_space<hbm>> -> memref<48xi32, #tpu.memory_space<hbm>>
      tpu.wait_dma2 semaphore(%run_scoped3A : memref<!tpu.dma_semaphore, #tpu.memory_space<semaphore_mem>>) src(%dma_wait3A_139 : memref<48xi32, #tpu.memory_space<hbm>>) dst(%arg9 : memref<48xi32, #tpu.memory_space<vmem>>)
      tpu.yield
    }) : () -> ()
    %dma_start3A_14 = arith.constant 48 : i32
    %dma_start3A_15 = arith.constant 0 : i32
    %dma_start3A_16 = tpu.memref_slice %arg11[%dma_start3A_14, %dma_start3A_15] : memref<144x256xf32, #tpu.memory_space<vmem>> -> memref<48x256xf32, #tpu.memory_space<vmem>>
    %dma_start3A_17 = arith.constant 0 : i32
    %dma_start3A_18 = arith.constant 0 : i32
    %dma_start3A_19 = tpu.memref_slice %arg2[%dma_start3A_17, %dma_start3A_18] : memref<8192x256xf32, #tpu.memory_space<hbm>> -> memref<8192x256xf32, #tpu.memory_space<hbm>>
    tpu.enqueue_indirect_dma source(%dma_start3A_19 : memref<8192x256xf32, #tpu.memory_space<hbm>>) target(%dma_start3A_16 : memref<48x256xf32, #tpu.memory_space<vmem>>) offsets(%arg9 : memref<48xi32, #tpu.memory_space<vmem>>) semaphore(%arg16 : memref<!tpu.dma_semaphore, #tpu.memory_space<semaphore_mem>>)
    %mul3A_20 = arith.constant 144 : i32
    %mul3A_21 = arith.muli %add3A, %mul3A_20 : i32
    %add3A_22 = arith.constant 96 : i32
    %add3A_23 = arith.addi %mul3A_21, %add3A_22 : i32
    "tpu.region"() ({
      %run_scoped3A = tpu.sem_alloc : memref<!tpu.dma_semaphore, #tpu.memory_space<semaphore_mem>>
      %dma_start3A_136 = tpu.memref_slice %arg3[%add3A_23] : memref<4608xi32, #tpu.memory_space<hbm>> -> memref<48xi32, #tpu.memory_space<hbm>>
      %dma_start3A_137 = tpu.memref_slice %arg3[%add3A_23] : memref<4608xi32, #tpu.memory_space<hbm>> -> memref<48xi32, #tpu.memory_space<hbm>>
      tpu.enqueue_dma source(%dma_start3A_137 : memref<48xi32, #tpu.memory_space<hbm>>) target(%arg10 : memref<48xi32, #tpu.memory_space<vmem>>) target_semaphore(%run_scoped3A : memref<!tpu.dma_semaphore, #tpu.memory_space<semaphore_mem>>)
      %dma_wait3A_138 = tpu.memref_slice %arg3[%add3A_23] : memref<4608xi32, #tpu.memory_space<hbm>> -> memref<48xi32, #tpu.memory_space<hbm>>
      %dma_wait3A_139 = tpu.memref_slice %arg3[%add3A_23] : memref<4608xi32, #tpu.memory_space<hbm>> -> memref<48xi32, #tpu.memory_space<hbm>>
      tpu.wait_dma2 semaphore(%run_scoped3A : memref<!tpu.dma_semaphore, #tpu.memory_space<semaphore_mem>>) src(%dma_wait3A_139 : memref<48xi32, #tpu.memory_space<hbm>>) dst(%arg10 : memref<48xi32, #tpu.memory_space<vmem>>)
      tpu.yield
    }) : () -> ()
    %dma_start3A_24 = arith.constant 96 : i32
    %dma_start3A_25 = arith.constant 0 : i32
    %dma_start3A_26 = tpu.memref_slice %arg11[%dma_start3A_24, %dma_start3A_25] : memref<144x256xf32, #tpu.memory_space<vmem>> -> memref<48x256xf32, #tpu.memory_space<vmem>>
    %dma_start3A_27 = arith.constant 0 : i32
    %dma_start3A_28 = arith.constant 0 : i32
    %dma_start3A_29 = tpu.memref_slice %arg2[%dma_start3A_27, %dma_start3A_28] : memref<8192x256xf32, #tpu.memory_space<hbm>> -> memref<8192x256xf32, #tpu.memory_space<hbm>>
    tpu.enqueue_indirect_dma source(%dma_start3A_29 : memref<8192x256xf32, #tpu.memory_space<hbm>>) target(%dma_start3A_26 : memref<48x256xf32, #tpu.memory_space<vmem>>) offsets(%arg10 : memref<48xi32, #tpu.memory_space<vmem>>) semaphore(%arg16 : memref<!tpu.dma_semaphore, #tpu.memory_space<semaphore_mem>>)
    "tpu.region"() ({
      %run_scoped3A = tpu.sem_alloc : memref<!tpu.dma_semaphore, #tpu.memory_space<semaphore_mem>>
      tpu.enqueue_dma source(%arg5 : memref<8192xf32, #tpu.memory_space<hbm>>) target(%arg14 : memref<8192xf32, #tpu.memory_space<vmem>>) target_semaphore(%run_scoped3A : memref<!tpu.dma_semaphore, #tpu.memory_space<semaphore_mem>>)
      tpu.wait_dma2 semaphore(%run_scoped3A : memref<!tpu.dma_semaphore, #tpu.memory_space<semaphore_mem>>) src(%arg5 : memref<8192xf32, #tpu.memory_space<hbm>>) dst(%arg14 : memref<8192xf32, #tpu.memory_space<vmem>>)
      tpu.yield
    }) : () -> ()
    %mul3A_30 = arith.constant 8192 : i32
    %mul3A_31 = arith.muli %arg1, %mul3A_30 : i32
    "tpu.region"() ({
      %run_scoped3A = tpu.sem_alloc : memref<!tpu.dma_semaphore, #tpu.memory_space<semaphore_mem>>
      %dma_start3A_136 = tpu.memref_slice %arg15[%mul3A_31] : memref<131072xf32, #tpu.memory_space<vmem_shared>> -> memref<8192xf32, #tpu.memory_space<vmem_shared>>
      %dma_start3A_137 = tpu.memref_slice %arg15[%mul3A_31] : memref<131072xf32, #tpu.memory_space<vmem_shared>> -> memref<8192xf32, #tpu.memory_space<vmem_shared>>
      tpu.enqueue_dma source(%arg14 : memref<8192xf32, #tpu.memory_space<vmem>>) target(%dma_start3A_137 : memref<8192xf32, #tpu.memory_space<vmem_shared>>) target_semaphore(%run_scoped3A : memref<!tpu.dma_semaphore, #tpu.memory_space<semaphore_mem>>)
      %dma_wait3A_138 = tpu.memref_slice %arg15[%mul3A_31] : memref<131072xf32, #tpu.memory_space<vmem_shared>> -> memref<8192xf32, #tpu.memory_space<vmem_shared>>
      %dma_wait3A_139 = tpu.memref_slice %arg15[%mul3A_31] : memref<131072xf32, #tpu.memory_space<vmem_shared>> -> memref<8192xf32, #tpu.memory_space<vmem_shared>>
      tpu.wait_dma2 semaphore(%run_scoped3A : memref<!tpu.dma_semaphore, #tpu.memory_space<semaphore_mem>>) src(%arg14 : memref<8192xf32, #tpu.memory_space<vmem>>) dst(%dma_wait3A_139 : memref<8192xf32, #tpu.memory_space<vmem_shared>>)
      tpu.yield
    }) : () -> ()
    "tpu.region"() ({
      %run_scoped3A = tpu.sem_alloc : memref<!tpu.dma_semaphore, #tpu.memory_space<semaphore_mem>>
      tpu.enqueue_dma source(%arg4 : memref<48xf32, #tpu.memory_space<hbm>>) target(%arg12 : memref<48xf32, #tpu.memory_space<vmem>>) target_semaphore(%run_scoped3A : memref<!tpu.dma_semaphore, #tpu.memory_space<semaphore_mem>>)
      tpu.wait_dma2 semaphore(%run_scoped3A : memref<!tpu.dma_semaphore, #tpu.memory_space<semaphore_mem>>) src(%arg4 : memref<48xf32, #tpu.memory_space<hbm>>) dst(%arg12 : memref<48xf32, #tpu.memory_space<vmem>>)
      tpu.yield
    }) : () -> ()
    %mul3A_32 = arith.constant 8192 : i32
    %mul3A_33 = arith.muli %arg1, %mul3A_32 : i32
    %get3A = arith.constant 0 : index
    %get3A_34 = tpu.vector_load %arg8[%get3A] {strides = array<i32>} : memref<48xi32, #tpu.memory_space<vmem>>, vector<16xi32>,
    %get3A_35 = vector.shape_cast %get3A_34 : vector<16xi32> to vector<16xi32>
    %add3A_36 = vector.broadcast %mul3A_33 : i32 to vector<16xi32>
    %add3A_37 = arith.addi %get3A_35, %add3A_36 : vector<16xi32>
    %swap3A = arith.constant 0 : index
    %swap3A_38 = tpu.vector_load %arg13[%swap3A] {strides = array<i32>} : memref<48xi32, #tpu.memory_space<vmem>>, vector<16xi32>,
    %swap3A_39 = vector.shape_cast %swap3A_38 : vector<16xi32> to vector<16xi32>
    %swap3A_40 = vector.shape_cast %add3A_37 : vector<16xi32> to vector<16xi32>
    tpu.vector_store %arg13[%swap3A], %swap3A_40 {strides = array<i32>} : memref<48xi32, #tpu.memory_space<vmem>>, vector<16xi32>,
    %get3A_41 = arith.constant 16 : index
    %get3A_42 = tpu.vector_load %arg8[%get3A_41] {strides = array<i32>} : memref<48xi32, #tpu.memory_space<vmem>>, vector<16xi32>,
    %get3A_43 = vector.shape_cast %get3A_42 : vector<16xi32> to vector<16xi32>
    %add3A_44 = vector.broadcast %mul3A_33 : i32 to vector<16xi32>
    %add3A_45 = arith.addi %get3A_43, %add3A_44 : vector<16xi32>
    %swap3A_46 = arith.constant 16 : index
    %swap3A_47 = tpu.vector_load %arg13[%swap3A_46] {strides = array<i32>} : memref<48xi32, #tpu.memory_space<vmem>>, vector<16xi32>,
    %swap3A_48 = vector.shape_cast %swap3A_47 : vector<16xi32> to vector<16xi32>
    %swap3A_49 = vector.shape_cast %add3A_45 : vector<16xi32> to vector<16xi32>
    tpu.vector_store %arg13[%swap3A_46], %swap3A_49 {strides = array<i32>} : memref<48xi32, #tpu.memory_space<vmem>>, vector<16xi32>,
    %get3A_50 = arith.constant 32 : index
    %get3A_51 = tpu.vector_load %arg8[%get3A_50] {strides = array<i32>} : memref<48xi32, #tpu.memory_space<vmem>>, vector<16xi32>,
    %get3A_52 = vector.shape_cast %get3A_51 : vector<16xi32> to vector<16xi32>
    %add3A_53 = vector.broadcast %mul3A_33 : i32 to vector<16xi32>
    %add3A_54 = arith.addi %get3A_52, %add3A_53 : vector<16xi32>
    %swap3A_55 = arith.constant 32 : index
    %swap3A_56 = tpu.vector_load %arg13[%swap3A_55] {strides = array<i32>} : memref<48xi32, #tpu.memory_space<vmem>>, vector<16xi32>,
    %swap3A_57 = vector.shape_cast %swap3A_56 : vector<16xi32> to vector<16xi32>
    %swap3A_58 = vector.shape_cast %add3A_54 : vector<16xi32> to vector<16xi32>
    tpu.vector_store %arg13[%swap3A_55], %swap3A_58 {strides = array<i32>} : memref<48xi32, #tpu.memory_space<vmem>>, vector<16xi32>,
    "tpu.region"() ({
      %run_scoped3A = tpu.sem_alloc : memref<!tpu.dma_semaphore, #tpu.memory_space<semaphore_mem>>
      %dma_start3A_136 = arith.constant 0 : i32
      %dma_start3A_137 = tpu.memref_slice %arg15[%dma_start3A_136] : memref<131072xf32, #tpu.memory_space<vmem_shared>> -> memref<131072xf32, #tpu.memory_space<vmem_shared>>
      tpu.enqueue_indirect_dma source(%arg12 : memref<48xf32, #tpu.memory_space<vmem>>) target(%dma_start3A_137 : memref<131072xf32, #tpu.memory_space<vmem_shared>>) offsets(%arg13 : memref<48xi32, #tpu.memory_space<vmem>>) semaphore(%run_scoped3A : memref<!tpu.dma_semaphore, #tpu.memory_space<semaphore_mem>>) {add = true}
      %dma_wait3A_138 = arith.constant 0 : i32
      %dma_wait3A_139 = tpu.memref_slice %arg15[%dma_wait3A_138] : memref<131072xf32, #tpu.memory_space<vmem_shared>> -> memref<131072xf32, #tpu.memory_space<vmem_shared>>
      tpu.wait_indirect_dma semaphore(%run_scoped3A : memref<!tpu.dma_semaphore, #tpu.memory_space<semaphore_mem>>) src(%arg12 : memref<48xf32, #tpu.memory_space<vmem>>) dst(%dma_wait3A_139 : memref<131072xf32, #tpu.memory_space<vmem_shared>>)
      tpu.yield
    }) : () -> ()
    %get3A_59 = arith.constant 0 : index
    %get3A_60 = tpu.vector_load %arg9[%get3A_59] {strides = array<i32>} : memref<48xi32, #tpu.memory_space<vmem>>, vector<16xi32>,
    %get3A_61 = vector.shape_cast %get3A_60 : vector<16xi32> to vector<16xi32>
    %add3A_62 = vector.broadcast %mul3A_33 : i32 to vector<16xi32>
    %add3A_63 = arith.addi %get3A_61, %add3A_62 : vector<16xi32>
    %swap3A_64 = arith.constant 0 : index
    %swap3A_65 = tpu.vector_load %arg13[%swap3A_64] {strides = array<i32>} : memref<48xi32, #tpu.memory_space<vmem>>, vector<16xi32>,
    %swap3A_66 = vector.shape_cast %swap3A_65 : vector<16xi32> to vector<16xi32>
    %swap3A_67 = vector.shape_cast %add3A_63 : vector<16xi32> to vector<16xi32>
    tpu.vector_store %arg13[%swap3A_64], %swap3A_67 {strides = array<i32>} : memref<48xi32, #tpu.memory_space<vmem>>, vector<16xi32>,
    %get3A_68 = arith.constant 16 : index
    %get3A_69 = tpu.vector_load %arg9[%get3A_68] {strides = array<i32>} : memref<48xi32, #tpu.memory_space<vmem>>, vector<16xi32>,
    %get3A_70 = vector.shape_cast %get3A_69 : vector<16xi32> to vector<16xi32>
    %add3A_71 = vector.broadcast %mul3A_33 : i32 to vector<16xi32>
    %add3A_72 = arith.addi %get3A_70, %add3A_71 : vector<16xi32>
    %swap3A_73 = arith.constant 16 : index
    %swap3A_74 = tpu.vector_load %arg13[%swap3A_73] {strides = array<i32>} : memref<48xi32, #tpu.memory_space<vmem>>, vector<16xi32>,
    %swap3A_75 = vector.shape_cast %swap3A_74 : vector<16xi32> to vector<16xi32>
    %swap3A_76 = vector.shape_cast %add3A_72 : vector<16xi32> to vector<16xi32>
    tpu.vector_store %arg13[%swap3A_73], %swap3A_76 {strides = array<i32>} : memref<48xi32, #tpu.memory_space<vmem>>, vector<16xi32>,
    %get3A_77 = arith.constant 32 : index
    %get3A_78 = tpu.vector_load %arg9[%get3A_77] {strides = array<i32>} : memref<48xi32, #tpu.memory_space<vmem>>, vector<16xi32>,
    %get3A_79 = vector.shape_cast %get3A_78 : vector<16xi32> to vector<16xi32>
    %add3A_80 = vector.broadcast %mul3A_33 : i32 to vector<16xi32>
    %add3A_81 = arith.addi %get3A_79, %add3A_80 : vector<16xi32>
    %swap3A_82 = arith.constant 32 : index
    %swap3A_83 = tpu.vector_load %arg13[%swap3A_82] {strides = array<i32>} : memref<48xi32, #tpu.memory_space<vmem>>, vector<16xi32>,
    %swap3A_84 = vector.shape_cast %swap3A_83 : vector<16xi32> to vector<16xi32>
    %swap3A_85 = vector.shape_cast %add3A_81 : vector<16xi32> to vector<16xi32>
    tpu.vector_store %arg13[%swap3A_82], %swap3A_85 {strides = array<i32>} : memref<48xi32, #tpu.memory_space<vmem>>, vector<16xi32>,
    "tpu.region"() ({
      %run_scoped3A = tpu.sem_alloc : memref<!tpu.dma_semaphore, #tpu.memory_space<semaphore_mem>>
      %dma_start3A_136 = arith.constant 0 : i32
      %dma_start3A_137 = tpu.memref_slice %arg15[%dma_start3A_136] : memref<131072xf32, #tpu.memory_space<vmem_shared>> -> memref<131072xf32, #tpu.memory_space<vmem_shared>>
      tpu.enqueue_indirect_dma source(%arg12 : memref<48xf32, #tpu.memory_space<vmem>>) target(%dma_start3A_137 : memref<131072xf32, #tpu.memory_space<vmem_shared>>) offsets(%arg13 : memref<48xi32, #tpu.memory_space<vmem>>) semaphore(%run_scoped3A : memref<!tpu.dma_semaphore, #tpu.memory_space<semaphore_mem>>) {add = true}
      %dma_wait3A_138 = arith.constant 0 : i32
      %dma_wait3A_139 = tpu.memref_slice %arg15[%dma_wait3A_138] : memref<131072xf32, #tpu.memory_space<vmem_shared>> -> memref<131072xf32, #tpu.memory_space<vmem_shared>>
      tpu.wait_indirect_dma semaphore(%run_scoped3A : memref<!tpu.dma_semaphore, #tpu.memory_space<semaphore_mem>>) src(%arg12 : memref<48xf32, #tpu.memory_space<vmem>>) dst(%dma_wait3A_139 : memref<131072xf32, #tpu.memory_space<vmem_shared>>)
      tpu.yield
    }) : () -> ()
    %get3A_86 = arith.constant 0 : index
    %get3A_87 = tpu.vector_load %arg10[%get3A_86] {strides = array<i32>} : memref<48xi32, #tpu.memory_space<vmem>>, vector<16xi32>,
    %get3A_88 = vector.shape_cast %get3A_87 : vector<16xi32> to vector<16xi32>
    %add3A_89 = vector.broadcast %mul3A_33 : i32 to vector<16xi32>
    %add3A_90 = arith.addi %get3A_88, %add3A_89 : vector<16xi32>
    %swap3A_91 = arith.constant 0 : index
    %swap3A_92 = tpu.vector_load %arg13[%swap3A_91] {strides = array<i32>} : memref<48xi32, #tpu.memory_space<vmem>>, vector<16xi32>,
    %swap3A_93 = vector.shape_cast %swap3A_92 : vector<16xi32> to vector<16xi32>
    %swap3A_94 = vector.shape_cast %add3A_90 : vector<16xi32> to vector<16xi32>
    tpu.vector_store %arg13[%swap3A_91], %swap3A_94 {strides = array<i32>} : memref<48xi32, #tpu.memory_space<vmem>>, vector<16xi32>,
    %get3A_95 = arith.constant 16 : index
    %get3A_96 = tpu.vector_load %arg10[%get3A_95] {strides = array<i32>} : memref<48xi32, #tpu.memory_space<vmem>>, vector<16xi32>,
    %get3A_97 = vector.shape_cast %get3A_96 : vector<16xi32> to vector<16xi32>
    %add3A_98 = vector.broadcast %mul3A_33 : i32 to vector<16xi32>
    %add3A_99 = arith.addi %get3A_97, %add3A_98 : vector<16xi32>
    %swap3A_100 = arith.constant 16 : index
    %swap3A_101 = tpu.vector_load %arg13[%swap3A_100] {strides = array<i32>} : memref<48xi32, #tpu.memory_space<vmem>>, vector<16xi32>,
    %swap3A_102 = vector.shape_cast %swap3A_101 : vector<16xi32> to vector<16xi32>
    %swap3A_103 = vector.shape_cast %add3A_99 : vector<16xi32> to vector<16xi32>
    tpu.vector_store %arg13[%swap3A_100], %swap3A_103 {strides = array<i32>} : memref<48xi32, #tpu.memory_space<vmem>>, vector<16xi32>,
    %get3A_104 = arith.constant 32 : index
    %get3A_105 = tpu.vector_load %arg10[%get3A_104] {strides = array<i32>} : memref<48xi32, #tpu.memory_space<vmem>>, vector<16xi32>,
    %get3A_106 = vector.shape_cast %get3A_105 : vector<16xi32> to vector<16xi32>
    %add3A_107 = vector.broadcast %mul3A_33 : i32 to vector<16xi32>
    %add3A_108 = arith.addi %get3A_106, %add3A_107 : vector<16xi32>
    %swap3A_109 = arith.constant 32 : index
    %swap3A_110 = tpu.vector_load %arg13[%swap3A_109] {strides = array<i32>} : memref<48xi32, #tpu.memory_space<vmem>>, vector<16xi32>,
    %swap3A_111 = vector.shape_cast %swap3A_110 : vector<16xi32> to vector<16xi32>
    %swap3A_112 = vector.shape_cast %add3A_108 : vector<16xi32> to vector<16xi32>
    tpu.vector_store %arg13[%swap3A_109], %swap3A_112 {strides = array<i32>} : memref<48xi32, #tpu.memory_space<vmem>>, vector<16xi32>,
    "tpu.region"() ({
      %run_scoped3A = tpu.sem_alloc : memref<!tpu.dma_semaphore, #tpu.memory_space<semaphore_mem>>
      %dma_start3A_136 = arith.constant 0 : i32
      %dma_start3A_137 = tpu.memref_slice %arg15[%dma_start3A_136] : memref<131072xf32, #tpu.memory_space<vmem_shared>> -> memref<131072xf32, #tpu.memory_space<vmem_shared>>
      tpu.enqueue_indirect_dma source(%arg12 : memref<48xf32, #tpu.memory_space<vmem>>) target(%dma_start3A_137 : memref<131072xf32, #tpu.memory_space<vmem_shared>>) offsets(%arg13 : memref<48xi32, #tpu.memory_space<vmem>>) semaphore(%run_scoped3A : memref<!tpu.dma_semaphore, #tpu.memory_space<semaphore_mem>>) {add = true}
      %dma_wait3A_138 = arith.constant 0 : i32
      %dma_wait3A_139 = tpu.memref_slice %arg15[%dma_wait3A_138] : memref<131072xf32, #tpu.memory_space<vmem_shared>> -> memref<131072xf32, #tpu.memory_space<vmem_shared>>
      tpu.wait_indirect_dma semaphore(%run_scoped3A : memref<!tpu.dma_semaphore, #tpu.memory_space<semaphore_mem>>) src(%arg12 : memref<48xf32, #tpu.memory_space<vmem>>) dst(%dma_wait3A_139 : memref<131072xf32, #tpu.memory_space<vmem_shared>>)
      tpu.yield
    }) : () -> ()
    %mul3A_113 = arith.constant 8192 : i32
    %mul3A_114 = arith.muli %arg1, %mul3A_113 : i32
    "tpu.region"() ({
      %run_scoped3A = tpu.sem_alloc : memref<!tpu.dma_semaphore, #tpu.memory_space<semaphore_mem>>
      %dma_start3A_136 = tpu.memref_slice %arg15[%mul3A_114] : memref<131072xf32, #tpu.memory_space<vmem_shared>> -> memref<8192xf32, #tpu.memory_space<vmem_shared>>
      %dma_start3A_137 = tpu.memref_slice %arg15[%mul3A_114] : memref<131072xf32, #tpu.memory_space<vmem_shared>> -> memref<8192xf32, #tpu.memory_space<vmem_shared>>
      tpu.enqueue_dma source(%dma_start3A_137 : memref<8192xf32, #tpu.memory_space<vmem_shared>>) target(%arg14 : memref<8192xf32, #tpu.memory_space<vmem>>) target_semaphore(%run_scoped3A : memref<!tpu.dma_semaphore, #tpu.memory_space<semaphore_mem>>)
      %dma_wait3A_138 = tpu.memref_slice %arg15[%mul3A_114] : memref<131072xf32, #tpu.memory_space<vmem_shared>> -> memref<8192xf32, #tpu.memory_space<vmem_shared>>
      %dma_wait3A_139 = tpu.memref_slice %arg15[%mul3A_114] : memref<131072xf32, #tpu.memory_space<vmem_shared>> -> memref<8192xf32, #tpu.memory_space<vmem_shared>>
      tpu.wait_dma2 semaphore(%run_scoped3A : memref<!tpu.dma_semaphore, #tpu.memory_space<semaphore_mem>>) src(%dma_wait3A_139 : memref<8192xf32, #tpu.memory_space<vmem_shared>>) dst(%arg14 : memref<8192xf32, #tpu.memory_space<vmem>>)
      tpu.yield
    }) : () -> ()
    %mul3A_115 = arith.constant 8192 : i32
    %mul3A_116 = arith.muli %add3A, %mul3A_115 : i32
    "tpu.region"() ({
      %run_scoped3A = tpu.sem_alloc : memref<!tpu.dma_semaphore, #tpu.memory_space<semaphore_mem>>
      %dma_start3A_136 = tpu.memref_slice %arg7[%mul3A_116] : memref<262144xf32, #tpu.memory_space<hbm>> -> memref<8192xf32, #tpu.memory_space<hbm>>
      %dma_start3A_137 = tpu.memref_slice %arg7[%mul3A_116] : memref<262144xf32, #tpu.memory_space<hbm>> -> memref<8192xf32, #tpu.memory_space<hbm>>
      tpu.enqueue_dma source(%arg14 : memref<8192xf32, #tpu.memory_space<vmem>>) target(%dma_start3A_137 : memref<8192xf32, #tpu.memory_space<hbm>>) target_semaphore(%run_scoped3A : memref<!tpu.dma_semaphore, #tpu.memory_space<semaphore_mem>>)
      %dma_wait3A_138 = tpu.memref_slice %arg7[%mul3A_116] : memref<262144xf32, #tpu.memory_space<hbm>> -> memref<8192xf32, #tpu.memory_space<hbm>>
      %dma_wait3A_139 = tpu.memref_slice %arg7[%mul3A_116] : memref<262144xf32, #tpu.memory_space<hbm>> -> memref<8192xf32, #tpu.memory_space<hbm>>
      tpu.wait_dma2 semaphore(%run_scoped3A : memref<!tpu.dma_semaphore, #tpu.memory_space<semaphore_mem>>) src(%arg14 : memref<8192xf32, #tpu.memory_space<vmem>>) dst(%dma_wait3A_139 : memref<8192xf32, #tpu.memory_space<hbm>>)
      tpu.yield
    }) : () -> ()
    %dma_wait3A = arith.constant 0 : i32
    %dma_wait3A_117 = arith.constant 0 : i32
    %dma_wait3A_118 = tpu.memref_slice %arg11[%dma_wait3A, %dma_wait3A_117] : memref<144x256xf32, #tpu.memory_space<vmem>> -> memref<48x256xf32, #tpu.memory_space<vmem>>
    %dma_wait3A_119 = arith.constant 0 : i32
    %dma_wait3A_120 = arith.constant 0 : i32
    %dma_wait3A_121 = tpu.memref_slice %arg2[%dma_wait3A_119, %dma_wait3A_120] : memref<8192x256xf32, #tpu.memory_space<hbm>> -> memref<8192x256xf32, #tpu.memory_space<hbm>>
    tpu.wait_indirect_dma semaphore(%arg16 : memref<!tpu.dma_semaphore, #tpu.memory_space<semaphore_mem>>) src(%dma_wait3A_121 : memref<8192x256xf32, #tpu.memory_space<hbm>>) dst(%dma_wait3A_118 : memref<48x256xf32, #tpu.memory_space<vmem>>)
    %dma_wait3A_122 = arith.constant 48 : i32
    %dma_wait3A_123 = arith.constant 0 : i32
    %dma_wait3A_124 = tpu.memref_slice %arg11[%dma_wait3A_122, %dma_wait3A_123] : memref<144x256xf32, #tpu.memory_space<vmem>> -> memref<48x256xf32, #tpu.memory_space<vmem>>
    %dma_wait3A_125 = arith.constant 0 : i32
    %dma_wait3A_126 = arith.constant 0 : i32
    %dma_wait3A_127 = tpu.memref_slice %arg2[%dma_wait3A_125, %dma_wait3A_126] : memref<8192x256xf32, #tpu.memory_space<hbm>> -> memref<8192x256xf32, #tpu.memory_space<hbm>>
    tpu.wait_indirect_dma semaphore(%arg16 : memref<!tpu.dma_semaphore, #tpu.memory_space<semaphore_mem>>) src(%dma_wait3A_127 : memref<8192x256xf32, #tpu.memory_space<hbm>>) dst(%dma_wait3A_124 : memref<48x256xf32, #tpu.memory_space<vmem>>)
    %dma_wait3A_128 = arith.constant 96 : i32
    %dma_wait3A_129 = arith.constant 0 : i32
    %dma_wait3A_130 = tpu.memref_slice %arg11[%dma_wait3A_128, %dma_wait3A_129] : memref<144x256xf32, #tpu.memory_space<vmem>> -> memref<48x256xf32, #tpu.memory_space<vmem>>
    %dma_wait3A_131 = arith.constant 0 : i32
    %dma_wait3A_132 = arith.constant 0 : i32
    %dma_wait3A_133 = tpu.memref_slice %arg2[%dma_wait3A_131, %dma_wait3A_132] : memref<8192x256xf32, #tpu.memory_space<hbm>> -> memref<8192x256xf32, #tpu.memory_space<hbm>>
    tpu.wait_indirect_dma semaphore(%arg16 : memref<!tpu.dma_semaphore, #tpu.memory_space<semaphore_mem>>) src(%dma_wait3A_133 : memref<8192x256xf32, #tpu.memory_space<hbm>>) dst(%dma_wait3A_130 : memref<48x256xf32, #tpu.memory_space<vmem>>)
    %mul3A_134 = arith.constant 144 : i32
    %mul3A_135 = arith.muli %add3A, %mul3A_134 : i32
    "tpu.region"() ({
      %run_scoped3A = tpu.sem_alloc : memref<!tpu.dma_semaphore, #tpu.memory_space<semaphore_mem>>
      %dma_start3A_136 = arith.constant 0 : i32
      %dma_start3A_137 = tpu.memref_slice %arg6[%mul3A_135, %dma_start3A_136] : memref<4608x256xf32, #tpu.memory_space<hbm>> -> memref<144x256xf32, #tpu.memory_space<hbm>>
      %dma_start3A_138 = arith.constant 0 : i32
      %dma_start3A_139 = tpu.memref_slice %arg6[%mul3A_135, %dma_start3A_138] : memref<4608x256xf32, #tpu.memory_space<hbm>> -> memref<144x256xf32, #tpu.memory_space<hbm>>
      tpu.enqueue_dma source(%arg11 : memref<144x256xf32, #tpu.memory_space<vmem>>) target(%dma_start3A_139 : memref<144x256xf32, #tpu.memory_space<hbm>>) target_semaphore(%run_scoped3A : memref<!tpu.dma_semaphore, #tpu.memory_space<semaphore_mem>>)
      %dma_wait3A_140 = arith.constant 0 : i32
      %dma_wait3A_141 = tpu.memref_slice %arg6[%mul3A_135, %dma_wait3A_140] : memref<4608x256xf32, #tpu.memory_space<hbm>> -> memref<144x256xf32, #tpu.memory_space<hbm>>
      %dma_wait3A_142 = arith.constant 0 : i32
      %dma_wait3A_143 = tpu.memref_slice %arg6[%mul3A_135, %dma_wait3A_142] : memref<4608x256xf32, #tpu.memory_space<hbm>> -> memref<144x256xf32, #tpu.memory_space<hbm>>
      tpu.wait_dma2 semaphore(%run_scoped3A : memref<!tpu.dma_semaphore, #tpu.memory_space<semaphore_mem>>) src(%arg11 : memref<144x256xf32, #tpu.memory_space<vmem>>) dst(%dma_wait3A_143 : memref<144x256xf32, #tpu.memory_space<hbm>>)
      tpu.yield
    }) : () -> ()
    return
  }
}

module attributes {stable_mosaic.version = 14 : i64} {
  func.func @_k1_body(%arg0: i32, %arg1: memref<256x256xf32, #tpu.memory_space<vmem>>, %arg2: memref<256x8192xf32, #tpu.memory_space<vmem>>, %arg3: memref<8x8192xf32, #tpu.memory_space<vmem>>, %arg4: memref<256x1xi32, #tpu.memory_space<vmem>>, %arg5: memref<256x1xf32, #tpu.memory_space<vmem>>) attributes {dimension_semantics = [#tpu.dimension_semantics<arbitrary>], iteration_bounds = array<i64: 18>, scalar_prefetch = 0 : i64, scratch_operands = 0 : i64, tpu.core_type = #tpu.core_type<tc>, window_params = [{transform_indices = @transform_0, window_bounds = array<i64: 256, 256>}, {pipeline_mode = #tpu.pipeline_mode<synchronous>, transform_indices = @transform_1, window_bounds = array<i64: 256, 8192>}, {pipeline_mode = #tpu.pipeline_mode<synchronous>, transform_indices = @transform_2, window_bounds = array<i64: 8, 8192>}, {transform_indices = @transform_3, window_bounds = array<i64: 256, 1>}, {transform_indices = @transform_4, window_bounds = array<i64: 256, 1>}]} {
    %get3A = arith.constant 0 : index
    %get3A_0 = arith.constant 0 : index
    %get3A_1 = vector.load %arg1[%get3A, %get3A_0] : memref<256x256xf32, #tpu.memory_space<vmem>>, vector<256x256xf32>
    %mul3A = arith.mulf %get3A_1, %get3A_1 : vector<256x256xf32>
    %reduce_sum3A = arith.constant dense<0.000000e+00> : vector<256xf32>
    %reduce_sum3A_2 = vector.multi_reduction <add>, %mul3A, %reduce_sum3A [1] : vector<256x256xf32> to vector<256xf32>
    %broadcast_in_dim3A = vector.shape_cast %reduce_sum3A_2 : vector<256xf32> to vector<256x1xf32>
    %mul3A_3 = arith.constant -2.000000e+00 : f32
    %mul3A_4 = vector.broadcast %mul3A_3 : f32 to vector<256x256xf32>
    %mul3A_5 = arith.mulf %mul3A_4, %get3A_1 : vector<256x256xf32>
    %get3A_6 = arith.constant 0 : index
    %get3A_7 = arith.constant 0 : index
    %get3A_8 = vector.load %arg2[%get3A_6, %get3A_7] : memref<256x8192xf32, #tpu.memory_space<vmem>>, vector<256x2048xf32>
    %get3A_9 = arith.constant 0 : index
    %get3A_10 = arith.constant 0 : index
    %get3A_11 = vector.load %arg3[%get3A_9, %get3A_10] : memref<8x8192xf32, #tpu.memory_space<vmem>>, vector<1x2048xf32>
    %dot_general3A = arith.constant dense<0.000000e+00> : vector<256x2048xf32>
    %dot_general3A_12 = tpu.matmul %mul3A_5, %get3A_8, %dot_general3A {dimension_numbers = #tpu.dot_dimension_numbers<[1], [0], [0], [1], [0, 0, 1, 1], [], []>, transpose_lhs_hint = false} : vector<256x256xf32>, vector<256x2048xf32>, vector<256x2048xf32> -> vector<256x2048xf32>
    %add3A = vector.broadcast %broadcast_in_dim3A : vector<256x1xf32> to vector<256x2048xf32>
    %add3A_13 = vector.broadcast %get3A_11 : vector<1x2048xf32> to vector<256x2048xf32>
    %add3A_14 = arith.addf %add3A, %add3A_13 : vector<256x2048xf32>
    %add3A_15 = arith.addf %add3A_14, %dot_general3A_12 : vector<256x2048xf32>
    %slice3A = vector.extract_strided_slice %add3A_15 {offsets = [0, 0], sizes = [256, 128], strides = [1, 1]} : vector<256x2048xf32> to vector<256x128xf32>
    %slice3A_16 = vector.extract_strided_slice %add3A_15 {offsets = [0, 128], sizes = [256, 128], strides = [1, 1]} : vector<256x2048xf32> to vector<256x128xf32>
    %lt3A = arith.cmpf olt, %slice3A_16, %slice3A : vector<256x128xf32>
    %min3A = arith.minimumf %slice3A, %slice3A_16 : vector<256x128xf32>
    %jit3A = arith.constant 1 : i32
    %jit3A_17 = arith.constant 0 : i32
    %broadcast_in_dim3A_18 = vector.broadcast %jit3A : i32 to vector<256x128xi32>
    %broadcast_in_dim3A_19 = vector.broadcast %jit3A_17 : i32 to vector<256x128xi32>
    %select_n3A = arith.select %lt3A, %broadcast_in_dim3A_18, %broadcast_in_dim3A_19 : vector<256x128xi1>, vector<256x128xi32>
    %slice3A_20 = vector.extract_strided_slice %add3A_15 {offsets = [0, 256], sizes = [256, 128], strides = [1, 1]} : vector<256x2048xf32> to vector<256x128xf32>
    %slice3A_21 = vector.extract_strided_slice %add3A_15 {offsets = [0, 384], sizes = [256, 128], strides = [1, 1]} : vector<256x2048xf32> to vector<256x128xf32>
    %lt3A_22 = arith.cmpf olt, %slice3A_21, %slice3A_20 : vector<256x128xf32>
    %min3A_23 = arith.minimumf %slice3A_20, %slice3A_21 : vector<256x128xf32>
    %jit3A_24 = arith.constant 3 : i32
    %jit3A_25 = arith.constant 2 : i32
    %broadcast_in_dim3A_26 = vector.broadcast %jit3A_24 : i32 to vector<256x128xi32>
    %broadcast_in_dim3A_27 = vector.broadcast %jit3A_25 : i32 to vector<256x128xi32>
    %select_n3A_28 = arith.select %lt3A_22, %broadcast_in_dim3A_26, %broadcast_in_dim3A_27 : vector<256x128xi1>, vector<256x128xi32>
    %slice3A_29 = vector.extract_strided_slice %add3A_15 {offsets = [0, 512], sizes = [256, 128], strides = [1, 1]} : vector<256x2048xf32> to vector<256x128xf32>
    %slice3A_30 = vector.extract_strided_slice %add3A_15 {offsets = [0, 640], sizes = [256, 128], strides = [1, 1]} : vector<256x2048xf32> to vector<256x128xf32>
    %lt3A_31 = arith.cmpf olt, %slice3A_30, %slice3A_29 : vector<256x128xf32>
    %min3A_32 = arith.minimumf %slice3A_29, %slice3A_30 : vector<256x128xf32>
    %jit3A_33 = arith.constant 5 : i32
    %jit3A_34 = arith.constant 4 : i32
    %broadcast_in_dim3A_35 = vector.broadcast %jit3A_33 : i32 to vector<256x128xi32>
    %broadcast_in_dim3A_36 = vector.broadcast %jit3A_34 : i32 to vector<256x128xi32>
    %select_n3A_37 = arith.select %lt3A_31, %broadcast_in_dim3A_35, %broadcast_in_dim3A_36 : vector<256x128xi1>, vector<256x128xi32>
    %slice3A_38 = vector.extract_strided_slice %add3A_15 {offsets = [0, 768], sizes = [256, 128], strides = [1, 1]} : vector<256x2048xf32> to vector<256x128xf32>
    %slice3A_39 = vector.extract_strided_slice %add3A_15 {offsets = [0, 896], sizes = [256, 128], strides = [1, 1]} : vector<256x2048xf32> to vector<256x128xf32>
    %lt3A_40 = arith.cmpf olt, %slice3A_39, %slice3A_38 : vector<256x128xf32>
    %min3A_41 = arith.minimumf %slice3A_38, %slice3A_39 : vector<256x128xf32>
    %jit3A_42 = arith.constant 7 : i32
    %jit3A_43 = arith.constant 6 : i32
    %broadcast_in_dim3A_44 = vector.broadcast %jit3A_42 : i32 to vector<256x128xi32>
    %broadcast_in_dim3A_45 = vector.broadcast %jit3A_43 : i32 to vector<256x128xi32>
    %select_n3A_46 = arith.select %lt3A_40, %broadcast_in_dim3A_44, %broadcast_in_dim3A_45 : vector<256x128xi1>, vector<256x128xi32>
    %slice3A_47 = vector.extract_strided_slice %add3A_15 {offsets = [0, 1024], sizes = [256, 128], strides = [1, 1]} : vector<256x2048xf32> to vector<256x128xf32>
    %slice3A_48 = vector.extract_strided_slice %add3A_15 {offsets = [0, 1152], sizes = [256, 128], strides = [1, 1]} : vector<256x2048xf32> to vector<256x128xf32>
    %lt3A_49 = arith.cmpf olt, %slice3A_48, %slice3A_47 : vector<256x128xf32>
    %min3A_50 = arith.minimumf %slice3A_47, %slice3A_48 : vector<256x128xf32>
    %jit3A_51 = arith.constant 9 : i32
    %jit3A_52 = arith.constant 8 : i32
    %broadcast_in_dim3A_53 = vector.broadcast %jit3A_51 : i32 to vector<256x128xi32>
    %broadcast_in_dim3A_54 = vector.broadcast %jit3A_52 : i32 to vector<256x128xi32>
    %select_n3A_55 = arith.select %lt3A_49, %broadcast_in_dim3A_53, %broadcast_in_dim3A_54 : vector<256x128xi1>, vector<256x128xi32>
    %slice3A_56 = vector.extract_strided_slice %add3A_15 {offsets = [0, 1280], sizes = [256, 128], strides = [1, 1]} : vector<256x2048xf32> to vector<256x128xf32>
    %slice3A_57 = vector.extract_strided_slice %add3A_15 {offsets = [0, 1408], sizes = [256, 128], strides = [1, 1]} : vector<256x2048xf32> to vector<256x128xf32>
    %lt3A_58 = arith.cmpf olt, %slice3A_57, %slice3A_56 : vector<256x128xf32>
    %min3A_59 = arith.minimumf %slice3A_56, %slice3A_57 : vector<256x128xf32>
    %jit3A_60 = arith.constant 11 : i32
    %jit3A_61 = arith.constant 10 : i32
    %broadcast_in_dim3A_62 = vector.broadcast %jit3A_60 : i32 to vector<256x128xi32>
    %broadcast_in_dim3A_63 = vector.broadcast %jit3A_61 : i32 to vector<256x128xi32>
    %select_n3A_64 = arith.select %lt3A_58, %broadcast_in_dim3A_62, %broadcast_in_dim3A_63 : vector<256x128xi1>, vector<256x128xi32>
    %slice3A_65 = vector.extract_strided_slice %add3A_15 {offsets = [0, 1536], sizes = [256, 128], strides = [1, 1]} : vector<256x2048xf32> to vector<256x128xf32>
    %slice3A_66 = vector.extract_strided_slice %add3A_15 {offsets = [0, 1664], sizes = [256, 128], strides = [1, 1]} : vector<256x2048xf32> to vector<256x128xf32>
    %lt3A_67 = arith.cmpf olt, %slice3A_66, %slice3A_65 : vector<256x128xf32>
    %min3A_68 = arith.minimumf %slice3A_65, %slice3A_66 : vector<256x128xf32>
    %jit3A_69 = arith.constant 13 : i32
    %jit3A_70 = arith.constant 12 : i32
    %broadcast_in_dim3A_71 = vector.broadcast %jit3A_69 : i32 to vector<256x128xi32>
    %broadcast_in_dim3A_72 = vector.broadcast %jit3A_70 : i32 to vector<256x128xi32>
    %select_n3A_73 = arith.select %lt3A_67, %broadcast_in_dim3A_71, %broadcast_in_dim3A_72 : vector<256x128xi1>, vector<256x128xi32>
    %slice3A_74 = vector.extract_strided_slice %add3A_15 {offsets = [0, 1792], sizes = [256, 128], strides = [1, 1]} : vector<256x2048xf32> to vector<256x128xf32>
    %slice3A_75 = vector.extract_strided_slice %add3A_15 {offsets = [0, 1920], sizes = [256, 128], strides = [1, 1]} : vector<256x2048xf32> to vector<256x128xf32>
    %lt3A_76 = arith.cmpf olt, %slice3A_75, %slice3A_74 : vector<256x128xf32>
    %min3A_77 = arith.minimumf %slice3A_74, %slice3A_75 : vector<256x128xf32>
    %jit3A_78 = arith.constant 15 : i32
    %jit3A_79 = arith.constant 14 : i32
    %broadcast_in_dim3A_80 = vector.broadcast %jit3A_78 : i32 to vector<256x128xi32>
    %broadcast_in_dim3A_81 = vector.broadcast %jit3A_79 : i32 to vector<256x128xi32>
    %select_n3A_82 = arith.select %lt3A_76, %broadcast_in_dim3A_80, %broadcast_in_dim3A_81 : vector<256x128xi1>, vector<256x128xi32>
    %concatenate3A = tpu.concatenate %min3A, %min3A_23, %min3A_32, %min3A_41, %min3A_50, %min3A_59, %min3A_68, %min3A_77 in 1 : vector<256x128xf32>, vector<256x128xf32>, vector<256x128xf32>, vector<256x128xf32>, vector<256x128xf32>, vector<256x128xf32>, vector<256x128xf32>, vector<256x128xf32> -> vector<256x1024xf32>
    %concatenate3A_83 = tpu.concatenate %select_n3A, %select_n3A_28, %select_n3A_37, %select_n3A_46, %select_n3A_55, %select_n3A_64, %select_n3A_73, %select_n3A_82 in 1 : vector<256x128xi32>, vector<256x128xi32>, vector<256x128xi32>, vector<256x128xi32>, vector<256x128xi32>, vector<256x128xi32>, vector<256x128xi32>, vector<256x128xi32> -> vector<256x1024xi32>
    %slice3A_84 = vector.extract_strided_slice %concatenate3A {offsets = [0, 0], sizes = [256, 128], strides = [1, 1]} : vector<256x1024xf32> to vector<256x128xf32>
    %slice3A_85 = vector.extract_strided_slice %concatenate3A {offsets = [0, 128], sizes = [256, 128], strides = [1, 1]} : vector<256x1024xf32> to vector<256x128xf32>
    %lt3A_86 = arith.cmpf olt, %slice3A_85, %slice3A_84 : vector<256x128xf32>
    %min3A_87 = arith.minimumf %slice3A_84, %slice3A_85 : vector<256x128xf32>
    %slice3A_88 = vector.extract_strided_slice %concatenate3A_83 {offsets = [0, 0], sizes = [256, 128], strides = [1, 1]} : vector<256x1024xi32> to vector<256x128xi32>
    %slice3A_89 = vector.extract_strided_slice %concatenate3A_83 {offsets = [0, 128], sizes = [256, 128], strides = [1, 1]} : vector<256x1024xi32> to vector<256x128xi32>
    %select_n3A_90 = arith.select %lt3A_86, %slice3A_89, %slice3A_88 : vector<256x128xi1>, vector<256x128xi32>
    %slice3A_91 = vector.extract_strided_slice %concatenate3A {offsets = [0, 256], sizes = [256, 128], strides = [1, 1]} : vector<256x1024xf32> to vector<256x128xf32>
    %slice3A_92 = vector.extract_strided_slice %concatenate3A {offsets = [0, 384], sizes = [256, 128], strides = [1, 1]} : vector<256x1024xf32> to vector<256x128xf32>
    %lt3A_93 = arith.cmpf olt, %slice3A_92, %slice3A_91 : vector<256x128xf32>
    %min3A_94 = arith.minimumf %slice3A_91, %slice3A_92 : vector<256x128xf32>
    %slice3A_95 = vector.extract_strided_slice %concatenate3A_83 {offsets = [0, 256], sizes = [256, 128], strides = [1, 1]} : vector<256x1024xi32> to vector<256x128xi32>
    %slice3A_96 = vector.extract_strided_slice %concatenate3A_83 {offsets = [0, 384], sizes = [256, 128], strides = [1, 1]} : vector<256x1024xi32> to vector<256x128xi32>
    %select_n3A_97 = arith.select %lt3A_93, %slice3A_96, %slice3A_95 : vector<256x128xi1>, vector<256x128xi32>
    %slice3A_98 = vector.extract_strided_slice %concatenate3A {offsets = [0, 512], sizes = [256, 128], strides = [1, 1]} : vector<256x1024xf32> to vector<256x128xf32>
    %slice3A_99 = vector.extract_strided_slice %concatenate3A {offsets = [0, 640], sizes = [256, 128], strides = [1, 1]} : vector<256x1024xf32> to vector<256x128xf32>
    %lt3A_100 = arith.cmpf olt, %slice3A_99, %slice3A_98 : vector<256x128xf32>
    %min3A_101 = arith.minimumf %slice3A_98, %slice3A_99 : vector<256x128xf32>
    %slice3A_102 = vector.extract_strided_slice %concatenate3A_83 {offsets = [0, 512], sizes = [256, 128], strides = [1, 1]} : vector<256x1024xi32> to vector<256x128xi32>
    %slice3A_103 = vector.extract_strided_slice %concatenate3A_83 {offsets = [0, 640], sizes = [256, 128], strides = [1, 1]} : vector<256x1024xi32> to vector<256x128xi32>
    %select_n3A_104 = arith.select %lt3A_100, %slice3A_103, %slice3A_102 : vector<256x128xi1>, vector<256x128xi32>
    %slice3A_105 = vector.extract_strided_slice %concatenate3A {offsets = [0, 768], sizes = [256, 128], strides = [1, 1]} : vector<256x1024xf32> to vector<256x128xf32>
    %slice3A_106 = vector.extract_strided_slice %concatenate3A {offsets = [0, 896], sizes = [256, 128], strides = [1, 1]} : vector<256x1024xf32> to vector<256x128xf32>
    %lt3A_107 = arith.cmpf olt, %slice3A_106, %slice3A_105 : vector<256x128xf32>
    %min3A_108 = arith.minimumf %slice3A_105, %slice3A_106 : vector<256x128xf32>
    %slice3A_109 = vector.extract_strided_slice %concatenate3A_83 {offsets = [0, 768], sizes = [256, 128], strides = [1, 1]} : vector<256x1024xi32> to vector<256x128xi32>
    %slice3A_110 = vector.extract_strided_slice %concatenate3A_83 {offsets = [0, 896], sizes = [256, 128], strides = [1, 1]} : vector<256x1024xi32> to vector<256x128xi32>
    %select_n3A_111 = arith.select %lt3A_107, %slice3A_110, %slice3A_109 : vector<256x128xi1>, vector<256x128xi32>
    %concatenate3A_112 = tpu.concatenate %min3A_87, %min3A_94, %min3A_101, %min3A_108 in 1 : vector<256x128xf32>, vector<256x128xf32>, vector<256x128xf32>, vector<256x128xf32> -> vector<256x512xf32>
    %concatenate3A_113 = tpu.concatenate %select_n3A_90, %select_n3A_97, %select_n3A_104, %select_n3A_111 in 1 : vector<256x128xi32>, vector<256x128xi32>, vector<256x128xi32>, vector<256x128xi32> -> vector<256x512xi32>
    %slice3A_114 = vector.extract_strided_slice %concatenate3A_112 {offsets = [0, 0], sizes = [256, 128], strides = [1, 1]} : vector<256x512xf32> to vector<256x128xf32>
    %slice3A_115 = vector.extract_strided_slice %concatenate3A_112 {offsets = [0, 128], sizes = [256, 128], strides = [1, 1]} : vector<256x512xf32> to vector<256x128xf32>
    %lt3A_116 = arith.cmpf olt, %slice3A_115, %slice3A_114 : vector<256x128xf32>
    %min3A_117 = arith.minimumf %slice3A_114, %slice3A_115 : vector<256x128xf32>
    %slice3A_118 = vector.extract_strided_slice %concatenate3A_113 {offsets = [0, 0], sizes = [256, 128], strides = [1, 1]} : vector<256x512xi32> to vector<256x128xi32>
    %slice3A_119 = vector.extract_strided_slice %concatenate3A_113 {offsets = [0, 128], sizes = [256, 128], strides = [1, 1]} : vector<256x512xi32> to vector<256x128xi32>
    %select_n3A_120 = arith.select %lt3A_116, %slice3A_119, %slice3A_118 : vector<256x128xi1>, vector<256x128xi32>
    %slice3A_121 = vector.extract_strided_slice %concatenate3A_112 {offsets = [0, 256], sizes = [256, 128], strides = [1, 1]} : vector<256x512xf32> to vector<256x128xf32>
    %slice3A_122 = vector.extract_strided_slice %concatenate3A_112 {offsets = [0, 384], sizes = [256, 128], strides = [1, 1]} : vector<256x512xf32> to vector<256x128xf32>
    %lt3A_123 = arith.cmpf olt, %slice3A_122, %slice3A_121 : vector<256x128xf32>
    %min3A_124 = arith.minimumf %slice3A_121, %slice3A_122 : vector<256x128xf32>
    %slice3A_125 = vector.extract_strided_slice %concatenate3A_113 {offsets = [0, 256], sizes = [256, 128], strides = [1, 1]} : vector<256x512xi32> to vector<256x128xi32>
    %slice3A_126 = vector.extract_strided_slice %concatenate3A_113 {offsets = [0, 384], sizes = [256, 128], strides = [1, 1]} : vector<256x512xi32> to vector<256x128xi32>
    %select_n3A_127 = arith.select %lt3A_123, %slice3A_126, %slice3A_125 : vector<256x128xi1>, vector<256x128xi32>
    %concatenate3A_128 = tpu.concatenate %min3A_117, %min3A_124 in 1 : vector<256x128xf32>, vector<256x128xf32> -> vector<256x256xf32>
    %concatenate3A_129 = tpu.concatenate %select_n3A_120, %select_n3A_127 in 1 : vector<256x128xi32>, vector<256x128xi32> -> vector<256x256xi32>
    %slice3A_130 = vector.extract_strided_slice %concatenate3A_128 {offsets = [0, 0], sizes = [256, 128], strides = [1, 1]} : vector<256x256xf32> to vector<256x128xf32>
    %slice3A_131 = vector.extract_strided_slice %concatenate3A_128 {offsets = [0, 128], sizes = [256, 128], strides = [1, 1]} : vector<256x256xf32> to vector<256x128xf32>
    %lt3A_132 = arith.cmpf olt, %slice3A_131, %slice3A_130 : vector<256x128xf32>
    %min3A_133 = arith.minimumf %slice3A_130, %slice3A_131 : vector<256x128xf32>
    %slice3A_134 = vector.extract_strided_slice %concatenate3A_129 {offsets = [0, 0], sizes = [256, 128], strides = [1, 1]} : vector<256x256xi32> to vector<256x128xi32>
    %slice3A_135 = vector.extract_strided_slice %concatenate3A_129 {offsets = [0, 128], sizes = [256, 128], strides = [1, 1]} : vector<256x256xi32> to vector<256x128xi32>
    %select_n3A_136 = arith.select %lt3A_132, %slice3A_135, %slice3A_134 : vector<256x128xi1>, vector<256x128xi32>
    %get3A_137 = arith.constant 0 : index
    %get3A_138 = arith.constant 2048 : index
    %get3A_139 = vector.load %arg2[%get3A_137, %get3A_138] : memref<256x8192xf32, #tpu.memory_space<vmem>>, vector<256x2048xf32>
    %get3A_140 = arith.constant 0 : index
    %get3A_141 = arith.constant 2048 : index
    %get3A_142 = vector.load %arg3[%get3A_140, %get3A_141] : memref<8x8192xf32, #tpu.memory_space<vmem>>, vector<1x2048xf32>
    %dot_general3A_143 = arith.constant dense<0.000000e+00> : vector<256x2048xf32>
    %dot_general3A_144 = tpu.matmul %mul3A_5, %get3A_139, %dot_general3A_143 {dimension_numbers = #tpu.dot_dimension_numbers<[1], [0], [0], [1], [0, 0, 1, 1], [], []>, transpose_lhs_hint = false} : vector<256x256xf32>, vector<256x2048xf32>, vector<256x2048xf32> -> vector<256x2048xf32>
    %add3A_145 = vector.broadcast %broadcast_in_dim3A : vector<256x1xf32> to vector<256x2048xf32>
    %add3A_146 = vector.broadcast %get3A_142 : vector<1x2048xf32> to vector<256x2048xf32>
    %add3A_147 = arith.addf %add3A_145, %add3A_146 : vector<256x2048xf32>
    %add3A_148 = arith.addf %add3A_147, %dot_general3A_144 : vector<256x2048xf32>
    %slice3A_149 = vector.extract_strided_slice %add3A_148 {offsets = [0, 0], sizes = [256, 128], strides = [1, 1]} : vector<256x2048xf32> to vector<256x128xf32>
    %slice3A_150 = vector.extract_strided_slice %add3A_148 {offsets = [0, 128], sizes = [256, 128], strides = [1, 1]} : vector<256x2048xf32> to vector<256x128xf32>
    %lt3A_151 = arith.cmpf olt, %slice3A_150, %slice3A_149 : vector<256x128xf32>
    %min3A_152 = arith.minimumf %slice3A_149, %slice3A_150 : vector<256x128xf32>
    %jit3A_153 = arith.constant 17 : i32
    %jit3A_154 = arith.constant 16 : i32
    %broadcast_in_dim3A_155 = vector.broadcast %jit3A_153 : i32 to vector<256x128xi32>
    %broadcast_in_dim3A_156 = vector.broadcast %jit3A_154 : i32 to vector<256x128xi32>
    %select_n3A_157 = arith.select %lt3A_151, %broadcast_in_dim3A_155, %broadcast_in_dim3A_156 : vector<256x128xi1>, vector<256x128xi32>
    %slice3A_158 = vector.extract_strided_slice %add3A_148 {offsets = [0, 256], sizes = [256, 128], strides = [1, 1]} : vector<256x2048xf32> to vector<256x128xf32>
    %slice3A_159 = vector.extract_strided_slice %add3A_148 {offsets = [0, 384], sizes = [256, 128], strides = [1, 1]} : vector<256x2048xf32> to vector<256x128xf32>
    %lt3A_160 = arith.cmpf olt, %slice3A_159, %slice3A_158 : vector<256x128xf32>
    %min3A_161 = arith.minimumf %slice3A_158, %slice3A_159 : vector<256x128xf32>
    %jit3A_162 = arith.constant 19 : i32
    %jit3A_163 = arith.constant 18 : i32
    %broadcast_in_dim3A_164 = vector.broadcast %jit3A_162 : i32 to vector<256x128xi32>
    %broadcast_in_dim3A_165 = vector.broadcast %jit3A_163 : i32 to vector<256x128xi32>
    %select_n3A_166 = arith.select %lt3A_160, %broadcast_in_dim3A_164, %broadcast_in_dim3A_165 : vector<256x128xi1>, vector<256x128xi32>
    %slice3A_167 = vector.extract_strided_slice %add3A_148 {offsets = [0, 512], sizes = [256, 128], strides = [1, 1]} : vector<256x2048xf32> to vector<256x128xf32>
    %slice3A_168 = vector.extract_strided_slice %add3A_148 {offsets = [0, 640], sizes = [256, 128], strides = [1, 1]} : vector<256x2048xf32> to vector<256x128xf32>
    %lt3A_169 = arith.cmpf olt, %slice3A_168, %slice3A_167 : vector<256x128xf32>
    %min3A_170 = arith.minimumf %slice3A_167, %slice3A_168 : vector<256x128xf32>
    %jit3A_171 = arith.constant 21 : i32
    %jit3A_172 = arith.constant 20 : i32
    %broadcast_in_dim3A_173 = vector.broadcast %jit3A_171 : i32 to vector<256x128xi32>
    %broadcast_in_dim3A_174 = vector.broadcast %jit3A_172 : i32 to vector<256x128xi32>
    %select_n3A_175 = arith.select %lt3A_169, %broadcast_in_dim3A_173, %broadcast_in_dim3A_174 : vector<256x128xi1>, vector<256x128xi32>
    %slice3A_176 = vector.extract_strided_slice %add3A_148 {offsets = [0, 768], sizes = [256, 128], strides = [1, 1]} : vector<256x2048xf32> to vector<256x128xf32>
    %slice3A_177 = vector.extract_strided_slice %add3A_148 {offsets = [0, 896], sizes = [256, 128], strides = [1, 1]} : vector<256x2048xf32> to vector<256x128xf32>
    %lt3A_178 = arith.cmpf olt, %slice3A_177, %slice3A_176 : vector<256x128xf32>
    %min3A_179 = arith.minimumf %slice3A_176, %slice3A_177 : vector<256x128xf32>
    %jit3A_180 = arith.constant 23 : i32
    %jit3A_181 = arith.constant 22 : i32
    %broadcast_in_dim3A_182 = vector.broadcast %jit3A_180 : i32 to vector<256x128xi32>
    %broadcast_in_dim3A_183 = vector.broadcast %jit3A_181 : i32 to vector<256x128xi32>
    %select_n3A_184 = arith.select %lt3A_178, %broadcast_in_dim3A_182, %broadcast_in_dim3A_183 : vector<256x128xi1>, vector<256x128xi32>
    %slice3A_185 = vector.extract_strided_slice %add3A_148 {offsets = [0, 1024], sizes = [256, 128], strides = [1, 1]} : vector<256x2048xf32> to vector<256x128xf32>
    %slice3A_186 = vector.extract_strided_slice %add3A_148 {offsets = [0, 1152], sizes = [256, 128], strides = [1, 1]} : vector<256x2048xf32> to vector<256x128xf32>
    %lt3A_187 = arith.cmpf olt, %slice3A_186, %slice3A_185 : vector<256x128xf32>
    %min3A_188 = arith.minimumf %slice3A_185, %slice3A_186 : vector<256x128xf32>
    %jit3A_189 = arith.constant 25 : i32
    %jit3A_190 = arith.constant 24 : i32
    %broadcast_in_dim3A_191 = vector.broadcast %jit3A_189 : i32 to vector<256x128xi32>
    %broadcast_in_dim3A_192 = vector.broadcast %jit3A_190 : i32 to vector<256x128xi32>
    %select_n3A_193 = arith.select %lt3A_187, %broadcast_in_dim3A_191, %broadcast_in_dim3A_192 : vector<256x128xi1>, vector<256x128xi32>
    %slice3A_194 = vector.extract_strided_slice %add3A_148 {offsets = [0, 1280], sizes = [256, 128], strides = [1, 1]} : vector<256x2048xf32> to vector<256x128xf32>
    %slice3A_195 = vector.extract_strided_slice %add3A_148 {offsets = [0, 1408], sizes = [256, 128], strides = [1, 1]} : vector<256x2048xf32> to vector<256x128xf32>
    %lt3A_196 = arith.cmpf olt, %slice3A_195, %slice3A_194 : vector<256x128xf32>
    %min3A_197 = arith.minimumf %slice3A_194, %slice3A_195 : vector<256x128xf32>
    %jit3A_198 = arith.constant 27 : i32
    %jit3A_199 = arith.constant 26 : i32
    %broadcast_in_dim3A_200 = vector.broadcast %jit3A_198 : i32 to vector<256x128xi32>
    %broadcast_in_dim3A_201 = vector.broadcast %jit3A_199 : i32 to vector<256x128xi32>
    %select_n3A_202 = arith.select %lt3A_196, %broadcast_in_dim3A_200, %broadcast_in_dim3A_201 : vector<256x128xi1>, vector<256x128xi32>
    %slice3A_203 = vector.extract_strided_slice %add3A_148 {offsets = [0, 1536], sizes = [256, 128], strides = [1, 1]} : vector<256x2048xf32> to vector<256x128xf32>
    %slice3A_204 = vector.extract_strided_slice %add3A_148 {offsets = [0, 1664], sizes = [256, 128], strides = [1, 1]} : vector<256x2048xf32> to vector<256x128xf32>
    %lt3A_205 = arith.cmpf olt, %slice3A_204, %slice3A_203 : vector<256x128xf32>
    %min3A_206 = arith.minimumf %slice3A_203, %slice3A_204 : vector<256x128xf32>
    %jit3A_207 = arith.constant 29 : i32
    %jit3A_208 = arith.constant 28 : i32
    %broadcast_in_dim3A_209 = vector.broadcast %jit3A_207 : i32 to vector<256x128xi32>
    %broadcast_in_dim3A_210 = vector.broadcast %jit3A_208 : i32 to vector<256x128xi32>
    %select_n3A_211 = arith.select %lt3A_205, %broadcast_in_dim3A_209, %broadcast_in_dim3A_210 : vector<256x128xi1>, vector<256x128xi32>
    %slice3A_212 = vector.extract_strided_slice %add3A_148 {offsets = [0, 1792], sizes = [256, 128], strides = [1, 1]} : vector<256x2048xf32> to vector<256x128xf32>
    %slice3A_213 = vector.extract_strided_slice %add3A_148 {offsets = [0, 1920], sizes = [256, 128], strides = [1, 1]} : vector<256x2048xf32> to vector<256x128xf32>
    %lt3A_214 = arith.cmpf olt, %slice3A_213, %slice3A_212 : vector<256x128xf32>
    %min3A_215 = arith.minimumf %slice3A_212, %slice3A_213 : vector<256x128xf32>
    %jit3A_216 = arith.constant 31 : i32
    %jit3A_217 = arith.constant 30 : i32
    %broadcast_in_dim3A_218 = vector.broadcast %jit3A_216 : i32 to vector<256x128xi32>
    %broadcast_in_dim3A_219 = vector.broadcast %jit3A_217 : i32 to vector<256x128xi32>
    %select_n3A_220 = arith.select %lt3A_214, %broadcast_in_dim3A_218, %broadcast_in_dim3A_219 : vector<256x128xi1>, vector<256x128xi32>
    %concatenate3A_221 = tpu.concatenate %min3A_152, %min3A_161, %min3A_170, %min3A_179, %min3A_188, %min3A_197, %min3A_206, %min3A_215 in 1 : vector<256x128xf32>, vector<256x128xf32>, vector<256x128xf32>, vector<256x128xf32>, vector<256x128xf32>, vector<256x128xf32>, vector<256x128xf32>, vector<256x128xf32> -> vector<256x1024xf32>
    %concatenate3A_222 = tpu.concatenate %select_n3A_157, %select_n3A_166, %select_n3A_175, %select_n3A_184, %select_n3A_193, %select_n3A_202, %select_n3A_211, %select_n3A_220 in 1 : vector<256x128xi32>, vector<256x128xi32>, vector<256x128xi32>, vector<256x128xi32>, vector<256x128xi32>, vector<256x128xi32>, vector<256x128xi32>, vector<256x128xi32> -> vector<256x1024xi32>
    %slice3A_223 = vector.extract_strided_slice %concatenate3A_221 {offsets = [0, 0], sizes = [256, 128], strides = [1, 1]} : vector<256x1024xf32> to vector<256x128xf32>
    %slice3A_224 = vector.extract_strided_slice %concatenate3A_221 {offsets = [0, 128], sizes = [256, 128], strides = [1, 1]} : vector<256x1024xf32> to vector<256x128xf32>
    %lt3A_225 = arith.cmpf olt, %slice3A_224, %slice3A_223 : vector<256x128xf32>
    %min3A_226 = arith.minimumf %slice3A_223, %slice3A_224 : vector<256x128xf32>
    %slice3A_227 = vector.extract_strided_slice %concatenate3A_222 {offsets = [0, 0], sizes = [256, 128], strides = [1, 1]} : vector<256x1024xi32> to vector<256x128xi32>
    %slice3A_228 = vector.extract_strided_slice %concatenate3A_222 {offsets = [0, 128], sizes = [256, 128], strides = [1, 1]} : vector<256x1024xi32> to vector<256x128xi32>
    %select_n3A_229 = arith.select %lt3A_225, %slice3A_228, %slice3A_227 : vector<256x128xi1>, vector<256x128xi32>
    %slice3A_230 = vector.extract_strided_slice %concatenate3A_221 {offsets = [0, 256], sizes = [256, 128], strides = [1, 1]} : vector<256x1024xf32> to vector<256x128xf32>
    %slice3A_231 = vector.extract_strided_slice %concatenate3A_221 {offsets = [0, 384], sizes = [256, 128], strides = [1, 1]} : vector<256x1024xf32> to vector<256x128xf32>
    %lt3A_232 = arith.cmpf olt, %slice3A_231, %slice3A_230 : vector<256x128xf32>
    %min3A_233 = arith.minimumf %slice3A_230, %slice3A_231 : vector<256x128xf32>
    %slice3A_234 = vector.extract_strided_slice %concatenate3A_222 {offsets = [0, 256], sizes = [256, 128], strides = [1, 1]} : vector<256x1024xi32> to vector<256x128xi32>
    %slice3A_235 = vector.extract_strided_slice %concatenate3A_222 {offsets = [0, 384], sizes = [256, 128], strides = [1, 1]} : vector<256x1024xi32> to vector<256x128xi32>
    %select_n3A_236 = arith.select %lt3A_232, %slice3A_235, %slice3A_234 : vector<256x128xi1>, vector<256x128xi32>
    %slice3A_237 = vector.extract_strided_slice %concatenate3A_221 {offsets = [0, 512], sizes = [256, 128], strides = [1, 1]} : vector<256x1024xf32> to vector<256x128xf32>
    %slice3A_238 = vector.extract_strided_slice %concatenate3A_221 {offsets = [0, 640], sizes = [256, 128], strides = [1, 1]} : vector<256x1024xf32> to vector<256x128xf32>
    %lt3A_239 = arith.cmpf olt, %slice3A_238, %slice3A_237 : vector<256x128xf32>
    %min3A_240 = arith.minimumf %slice3A_237, %slice3A_238 : vector<256x128xf32>
    %slice3A_241 = vector.extract_strided_slice %concatenate3A_222 {offsets = [0, 512], sizes = [256, 128], strides = [1, 1]} : vector<256x1024xi32> to vector<256x128xi32>
    %slice3A_242 = vector.extract_strided_slice %concatenate3A_222 {offsets = [0, 640], sizes = [256, 128], strides = [1, 1]} : vector<256x1024xi32> to vector<256x128xi32>
    %select_n3A_243 = arith.select %lt3A_239, %slice3A_242, %slice3A_241 : vector<256x128xi1>, vector<256x128xi32>
    %slice3A_244 = vector.extract_strided_slice %concatenate3A_221 {offsets = [0, 768], sizes = [256, 128], strides = [1, 1]} : vector<256x1024xf32> to vector<256x128xf32>
    %slice3A_245 = vector.extract_strided_slice %concatenate3A_221 {offsets = [0, 896], sizes = [256, 128], strides = [1, 1]} : vector<256x1024xf32> to vector<256x128xf32>
    %lt3A_246 = arith.cmpf olt, %slice3A_245, %slice3A_244 : vector<256x128xf32>
    %min3A_247 = arith.minimumf %slice3A_244, %slice3A_245 : vector<256x128xf32>
    %slice3A_248 = vector.extract_strided_slice %concatenate3A_222 {offsets = [0, 768], sizes = [256, 128], strides = [1, 1]} : vector<256x1024xi32> to vector<256x128xi32>
    %slice3A_249 = vector.extract_strided_slice %concatenate3A_222 {offsets = [0, 896], sizes = [256, 128], strides = [1, 1]} : vector<256x1024xi32> to vector<256x128xi32>
    %select_n3A_250 = arith.select %lt3A_246, %slice3A_249, %slice3A_248 : vector<256x128xi1>, vector<256x128xi32>
    %concatenate3A_251 = tpu.concatenate %min3A_226, %min3A_233, %min3A_240, %min3A_247 in 1 : vector<256x128xf32>, vector<256x128xf32>, vector<256x128xf32>, vector<256x128xf32> -> vector<256x512xf32>
    %concatenate3A_252 = tpu.concatenate %select_n3A_229, %select_n3A_236, %select_n3A_243, %select_n3A_250 in 1 : vector<256x128xi32>, vector<256x128xi32>, vector<256x128xi32>, vector<256x128xi32> -> vector<256x512xi32>
    %slice3A_253 = vector.extract_strided_slice %concatenate3A_251 {offsets = [0, 0], sizes = [256, 128], strides = [1, 1]} : vector<256x512xf32> to vector<256x128xf32>
    %slice3A_254 = vector.extract_strided_slice %concatenate3A_251 {offsets = [0, 128], sizes = [256, 128], strides = [1, 1]} : vector<256x512xf32> to vector<256x128xf32>
    %lt3A_255 = arith.cmpf olt, %slice3A_254, %slice3A_253 : vector<256x128xf32>
    %min3A_256 = arith.minimumf %slice3A_253, %slice3A_254 : vector<256x128xf32>
    %slice3A_257 = vector.extract_strided_slice %concatenate3A_252 {offsets = [0, 0], sizes = [256, 128], strides = [1, 1]} : vector<256x512xi32> to vector<256x128xi32>
    %slice3A_258 = vector.extract_strided_slice %concatenate3A_252 {offsets = [0, 128], sizes = [256, 128], strides = [1, 1]} : vector<256x512xi32> to vector<256x128xi32>
    %select_n3A_259 = arith.select %lt3A_255, %slice3A_258, %slice3A_257 : vector<256x128xi1>, vector<256x128xi32>
    %slice3A_260 = vector.extract_strided_slice %concatenate3A_251 {offsets = [0, 256], sizes = [256, 128], strides = [1, 1]} : vector<256x512xf32> to vector<256x128xf32>
    %slice3A_261 = vector.extract_strided_slice %concatenate3A_251 {offsets = [0, 384], sizes = [256, 128], strides = [1, 1]} : vector<256x512xf32> to vector<256x128xf32>
    %lt3A_262 = arith.cmpf olt, %slice3A_261, %slice3A_260 : vector<256x128xf32>
    %min3A_263 = arith.minimumf %slice3A_260, %slice3A_261 : vector<256x128xf32>
    %slice3A_264 = vector.extract_strided_slice %concatenate3A_252 {offsets = [0, 256], sizes = [256, 128], strides = [1, 1]} : vector<256x512xi32> to vector<256x128xi32>
    %slice3A_265 = vector.extract_strided_slice %concatenate3A_252 {offsets = [0, 384], sizes = [256, 128], strides = [1, 1]} : vector<256x512xi32> to vector<256x128xi32>
    %select_n3A_266 = arith.select %lt3A_262, %slice3A_265, %slice3A_264 : vector<256x128xi1>, vector<256x128xi32>
    %concatenate3A_267 = tpu.concatenate %min3A_256, %min3A_263 in 1 : vector<256x128xf32>, vector<256x128xf32> -> vector<256x256xf32>
    %concatenate3A_268 = tpu.concatenate %select_n3A_259, %select_n3A_266 in 1 : vector<256x128xi32>, vector<256x128xi32> -> vector<256x256xi32>
    %slice3A_269 = vector.extract_strided_slice %concatenate3A_267 {offsets = [0, 0], sizes = [256, 128], strides = [1, 1]} : vector<256x256xf32> to vector<256x128xf32>
    %slice3A_270 = vector.extract_strided_slice %concatenate3A_267 {offsets = [0, 128], sizes = [256, 128], strides = [1, 1]} : vector<256x256xf32> to vector<256x128xf32>
    %lt3A_271 = arith.cmpf olt, %slice3A_270, %slice3A_269 : vector<256x128xf32>
    %min3A_272 = arith.minimumf %slice3A_269, %slice3A_270 : vector<256x128xf32>
    %slice3A_273 = vector.extract_strided_slice %concatenate3A_268 {offsets = [0, 0], sizes = [256, 128], strides = [1, 1]} : vector<256x256xi32> to vector<256x128xi32>
    %slice3A_274 = vector.extract_strided_slice %concatenate3A_268 {offsets = [0, 128], sizes = [256, 128], strides = [1, 1]} : vector<256x256xi32> to vector<256x128xi32>
    %select_n3A_275 = arith.select %lt3A_271, %slice3A_274, %slice3A_273 : vector<256x128xi1>, vector<256x128xi32>
    %lt3A_276 = arith.cmpf olt, %min3A_272, %min3A_133 : vector<256x128xf32>
    %select_n3A_277 = arith.select %lt3A_276, %min3A_272, %min3A_133 : vector<256x128xi1>, vector<256x128xf32>
    %select_n3A_278 = arith.select %lt3A_276, %select_n3A_275, %select_n3A_136 : vector<256x128xi1>, vector<256x128xi32>
    %get3A_279 = arith.constant 0 : index
    %get3A_280 = arith.constant 4096 : index
    %get3A_281 = vector.load %arg2[%get3A_279, %get3A_280] : memref<256x8192xf32, #tpu.memory_space<vmem>>, vector<256x2048xf32>
    %get3A_282 = arith.constant 0 : index
    %get3A_283 = arith.constant 4096 : index
    %get3A_284 = vector.load %arg3[%get3A_282, %get3A_283] : memref<8x8192xf32, #tpu.memory_space<vmem>>, vector<1x2048xf32>
    %dot_general3A_285 = arith.constant dense<0.000000e+00> : vector<256x2048xf32>
    %dot_general3A_286 = tpu.matmul %mul3A_5, %get3A_281, %dot_general3A_285 {dimension_numbers = #tpu.dot_dimension_numbers<[1], [0], [0], [1], [0, 0, 1, 1], [], []>, transpose_lhs_hint = false} : vector<256x256xf32>, vector<256x2048xf32>, vector<256x2048xf32> -> vector<256x2048xf32>
    %add3A_287 = vector.broadcast %broadcast_in_dim3A : vector<256x1xf32> to vector<256x2048xf32>
    %add3A_288 = vector.broadcast %get3A_284 : vector<1x2048xf32> to vector<256x2048xf32>
    %add3A_289 = arith.addf %add3A_287, %add3A_288 : vector<256x2048xf32>
    %add3A_290 = arith.addf %add3A_289, %dot_general3A_286 : vector<256x2048xf32>
    %slice3A_291 = vector.extract_strided_slice %add3A_290 {offsets = [0, 0], sizes = [256, 128], strides = [1, 1]} : vector<256x2048xf32> to vector<256x128xf32>
    %slice3A_292 = vector.extract_strided_slice %add3A_290 {offsets = [0, 128], sizes = [256, 128], strides = [1, 1]} : vector<256x2048xf32> to vector<256x128xf32>
    %lt3A_293 = arith.cmpf olt, %slice3A_292, %slice3A_291 : vector<256x128xf32>
    %min3A_294 = arith.minimumf %slice3A_291, %slice3A_292 : vector<256x128xf32>
    %jit3A_295 = arith.constant 33 : i32
    %jit3A_296 = arith.constant 32 : i32
    %broadcast_in_dim3A_297 = vector.broadcast %jit3A_295 : i32 to vector<256x128xi32>
    %broadcast_in_dim3A_298 = vector.broadcast %jit3A_296 : i32 to vector<256x128xi32>
    %select_n3A_299 = arith.select %lt3A_293, %broadcast_in_dim3A_297, %broadcast_in_dim3A_298 : vector<256x128xi1>, vector<256x128xi32>
    %slice3A_300 = vector.extract_strided_slice %add3A_290 {offsets = [0, 256], sizes = [256, 128], strides = [1, 1]} : vector<256x2048xf32> to vector<256x128xf32>
    %slice3A_301 = vector.extract_strided_slice %add3A_290 {offsets = [0, 384], sizes = [256, 128], strides = [1, 1]} : vector<256x2048xf32> to vector<256x128xf32>
    %lt3A_302 = arith.cmpf olt, %slice3A_301, %slice3A_300 : vector<256x128xf32>
    %min3A_303 = arith.minimumf %slice3A_300, %slice3A_301 : vector<256x128xf32>
    %jit3A_304 = arith.constant 35 : i32
    %jit3A_305 = arith.constant 34 : i32
    %broadcast_in_dim3A_306 = vector.broadcast %jit3A_304 : i32 to vector<256x128xi32>
    %broadcast_in_dim3A_307 = vector.broadcast %jit3A_305 : i32 to vector<256x128xi32>
    %select_n3A_308 = arith.select %lt3A_302, %broadcast_in_dim3A_306, %broadcast_in_dim3A_307 : vector<256x128xi1>, vector<256x128xi32>
    %slice3A_309 = vector.extract_strided_slice %add3A_290 {offsets = [0, 512], sizes = [256, 128], strides = [1, 1]} : vector<256x2048xf32> to vector<256x128xf32>
    %slice3A_310 = vector.extract_strided_slice %add3A_290 {offsets = [0, 640], sizes = [256, 128], strides = [1, 1]} : vector<256x2048xf32> to vector<256x128xf32>
    %lt3A_311 = arith.cmpf olt, %slice3A_310, %slice3A_309 : vector<256x128xf32>
    %min3A_312 = arith.minimumf %slice3A_309, %slice3A_310 : vector<256x128xf32>
    %jit3A_313 = arith.constant 37 : i32
    %jit3A_314 = arith.constant 36 : i32
    %broadcast_in_dim3A_315 = vector.broadcast %jit3A_313 : i32 to vector<256x128xi32>
    %broadcast_in_dim3A_316 = vector.broadcast %jit3A_314 : i32 to vector<256x128xi32>
    %select_n3A_317 = arith.select %lt3A_311, %broadcast_in_dim3A_315, %broadcast_in_dim3A_316 : vector<256x128xi1>, vector<256x128xi32>
    %slice3A_318 = vector.extract_strided_slice %add3A_290 {offsets = [0, 768], sizes = [256, 128], strides = [1, 1]} : vector<256x2048xf32> to vector<256x128xf32>
    %slice3A_319 = vector.extract_strided_slice %add3A_290 {offsets = [0, 896], sizes = [256, 128], strides = [1, 1]} : vector<256x2048xf32> to vector<256x128xf32>
    %lt3A_320 = arith.cmpf olt, %slice3A_319, %slice3A_318 : vector<256x128xf32>
    %min3A_321 = arith.minimumf %slice3A_318, %slice3A_319 : vector<256x128xf32>
    %jit3A_322 = arith.constant 39 : i32
    %jit3A_323 = arith.constant 38 : i32
    %broadcast_in_dim3A_324 = vector.broadcast %jit3A_322 : i32 to vector<256x128xi32>
    %broadcast_in_dim3A_325 = vector.broadcast %jit3A_323 : i32 to vector<256x128xi32>
    %select_n3A_326 = arith.select %lt3A_320, %broadcast_in_dim3A_324, %broadcast_in_dim3A_325 : vector<256x128xi1>, vector<256x128xi32>
    %slice3A_327 = vector.extract_strided_slice %add3A_290 {offsets = [0, 1024], sizes = [256, 128], strides = [1, 1]} : vector<256x2048xf32> to vector<256x128xf32>
    %slice3A_328 = vector.extract_strided_slice %add3A_290 {offsets = [0, 1152], sizes = [256, 128], strides = [1, 1]} : vector<256x2048xf32> to vector<256x128xf32>
    %lt3A_329 = arith.cmpf olt, %slice3A_328, %slice3A_327 : vector<256x128xf32>
    %min3A_330 = arith.minimumf %slice3A_327, %slice3A_328 : vector<256x128xf32>
    %jit3A_331 = arith.constant 41 : i32
    %jit3A_332 = arith.constant 40 : i32
    %broadcast_in_dim3A_333 = vector.broadcast %jit3A_331 : i32 to vector<256x128xi32>
    %broadcast_in_dim3A_334 = vector.broadcast %jit3A_332 : i32 to vector<256x128xi32>
    %select_n3A_335 = arith.select %lt3A_329, %broadcast_in_dim3A_333, %broadcast_in_dim3A_334 : vector<256x128xi1>, vector<256x128xi32>
    %slice3A_336 = vector.extract_strided_slice %add3A_290 {offsets = [0, 1280], sizes = [256, 128], strides = [1, 1]} : vector<256x2048xf32> to vector<256x128xf32>
    %slice3A_337 = vector.extract_strided_slice %add3A_290 {offsets = [0, 1408], sizes = [256, 128], strides = [1, 1]} : vector<256x2048xf32> to vector<256x128xf32>
    %lt3A_338 = arith.cmpf olt, %slice3A_337, %slice3A_336 : vector<256x128xf32>
    %min3A_339 = arith.minimumf %slice3A_336, %slice3A_337 : vector<256x128xf32>
    %jit3A_340 = arith.constant 43 : i32
    %jit3A_341 = arith.constant 42 : i32
    %broadcast_in_dim3A_342 = vector.broadcast %jit3A_340 : i32 to vector<256x128xi32>
    %broadcast_in_dim3A_343 = vector.broadcast %jit3A_341 : i32 to vector<256x128xi32>
    %select_n3A_344 = arith.select %lt3A_338, %broadcast_in_dim3A_342, %broadcast_in_dim3A_343 : vector<256x128xi1>, vector<256x128xi32>
    %slice3A_345 = vector.extract_strided_slice %add3A_290 {offsets = [0, 1536], sizes = [256, 128], strides = [1, 1]} : vector<256x2048xf32> to vector<256x128xf32>
    %slice3A_346 = vector.extract_strided_slice %add3A_290 {offsets = [0, 1664], sizes = [256, 128], strides = [1, 1]} : vector<256x2048xf32> to vector<256x128xf32>
    %lt3A_347 = arith.cmpf olt, %slice3A_346, %slice3A_345 : vector<256x128xf32>
    %min3A_348 = arith.minimumf %slice3A_345, %slice3A_346 : vector<256x128xf32>
    %jit3A_349 = arith.constant 45 : i32
    %jit3A_350 = arith.constant 44 : i32
    %broadcast_in_dim3A_351 = vector.broadcast %jit3A_349 : i32 to vector<256x128xi32>
    %broadcast_in_dim3A_352 = vector.broadcast %jit3A_350 : i32 to vector<256x128xi32>
    %select_n3A_353 = arith.select %lt3A_347, %broadcast_in_dim3A_351, %broadcast_in_dim3A_352 : vector<256x128xi1>, vector<256x128xi32>
    %slice3A_354 = vector.extract_strided_slice %add3A_290 {offsets = [0, 1792], sizes = [256, 128], strides = [1, 1]} : vector<256x2048xf32> to vector<256x128xf32>
    %slice3A_355 = vector.extract_strided_slice %add3A_290 {offsets = [0, 1920], sizes = [256, 128], strides = [1, 1]} : vector<256x2048xf32> to vector<256x128xf32>
    %lt3A_356 = arith.cmpf olt, %slice3A_355, %slice3A_354 : vector<256x128xf32>
    %min3A_357 = arith.minimumf %slice3A_354, %slice3A_355 : vector<256x128xf32>
    %jit3A_358 = arith.constant 47 : i32
    %jit3A_359 = arith.constant 46 : i32
    %broadcast_in_dim3A_360 = vector.broadcast %jit3A_358 : i32 to vector<256x128xi32>
    %broadcast_in_dim3A_361 = vector.broadcast %jit3A_359 : i32 to vector<256x128xi32>
    %select_n3A_362 = arith.select %lt3A_356, %broadcast_in_dim3A_360, %broadcast_in_dim3A_361 : vector<256x128xi1>, vector<256x128xi32>
    %concatenate3A_363 = tpu.concatenate %min3A_294, %min3A_303, %min3A_312, %min3A_321, %min3A_330, %min3A_339, %min3A_348, %min3A_357 in 1 : vector<256x128xf32>, vector<256x128xf32>, vector<256x128xf32>, vector<256x128xf32>, vector<256x128xf32>, vector<256x128xf32>, vector<256x128xf32>, vector<256x128xf32> -> vector<256x1024xf32>
    %concatenate3A_364 = tpu.concatenate %select_n3A_299, %select_n3A_308, %select_n3A_317, %select_n3A_326, %select_n3A_335, %select_n3A_344, %select_n3A_353, %select_n3A_362 in 1 : vector<256x128xi32>, vector<256x128xi32>, vector<256x128xi32>, vector<256x128xi32>, vector<256x128xi32>, vector<256x128xi32>, vector<256x128xi32>, vector<256x128xi32> -> vector<256x1024xi32>
    %slice3A_365 = vector.extract_strided_slice %concatenate3A_363 {offsets = [0, 0], sizes = [256, 128], strides = [1, 1]} : vector<256x1024xf32> to vector<256x128xf32>
    %slice3A_366 = vector.extract_strided_slice %concatenate3A_363 {offsets = [0, 128], sizes = [256, 128], strides = [1, 1]} : vector<256x1024xf32> to vector<256x128xf32>
    %lt3A_367 = arith.cmpf olt, %slice3A_366, %slice3A_365 : vector<256x128xf32>
    %min3A_368 = arith.minimumf %slice3A_365, %slice3A_366 : vector<256x128xf32>
    %slice3A_369 = vector.extract_strided_slice %concatenate3A_364 {offsets = [0, 0], sizes = [256, 128], strides = [1, 1]} : vector<256x1024xi32> to vector<256x128xi32>
    %slice3A_370 = vector.extract_strided_slice %concatenate3A_364 {offsets = [0, 128], sizes = [256, 128], strides = [1, 1]} : vector<256x1024xi32> to vector<256x128xi32>
    %select_n3A_371 = arith.select %lt3A_367, %slice3A_370, %slice3A_369 : vector<256x128xi1>, vector<256x128xi32>
    %slice3A_372 = vector.extract_strided_slice %concatenate3A_363 {offsets = [0, 256], sizes = [256, 128], strides = [1, 1]} : vector<256x1024xf32> to vector<256x128xf32>
    %slice3A_373 = vector.extract_strided_slice %concatenate3A_363 {offsets = [0, 384], sizes = [256, 128], strides = [1, 1]} : vector<256x1024xf32> to vector<256x128xf32>
    %lt3A_374 = arith.cmpf olt, %slice3A_373, %slice3A_372 : vector<256x128xf32>
    %min3A_375 = arith.minimumf %slice3A_372, %slice3A_373 : vector<256x128xf32>
    %slice3A_376 = vector.extract_strided_slice %concatenate3A_364 {offsets = [0, 256], sizes = [256, 128], strides = [1, 1]} : vector<256x1024xi32> to vector<256x128xi32>
    %slice3A_377 = vector.extract_strided_slice %concatenate3A_364 {offsets = [0, 384], sizes = [256, 128], strides = [1, 1]} : vector<256x1024xi32> to vector<256x128xi32>
    %select_n3A_378 = arith.select %lt3A_374, %slice3A_377, %slice3A_376 : vector<256x128xi1>, vector<256x128xi32>
    %slice3A_379 = vector.extract_strided_slice %concatenate3A_363 {offsets = [0, 512], sizes = [256, 128], strides = [1, 1]} : vector<256x1024xf32> to vector<256x128xf32>
    %slice3A_380 = vector.extract_strided_slice %concatenate3A_363 {offsets = [0, 640], sizes = [256, 128], strides = [1, 1]} : vector<256x1024xf32> to vector<256x128xf32>
    %lt3A_381 = arith.cmpf olt, %slice3A_380, %slice3A_379 : vector<256x128xf32>
    %min3A_382 = arith.minimumf %slice3A_379, %slice3A_380 : vector<256x128xf32>
    %slice3A_383 = vector.extract_strided_slice %concatenate3A_364 {offsets = [0, 512], sizes = [256, 128], strides = [1, 1]} : vector<256x1024xi32> to vector<256x128xi32>
    %slice3A_384 = vector.extract_strided_slice %concatenate3A_364 {offsets = [0, 640], sizes = [256, 128], strides = [1, 1]} : vector<256x1024xi32> to vector<256x128xi32>
    %select_n3A_385 = arith.select %lt3A_381, %slice3A_384, %slice3A_383 : vector<256x128xi1>, vector<256x128xi32>
    %slice3A_386 = vector.extract_strided_slice %concatenate3A_363 {offsets = [0, 768], sizes = [256, 128], strides = [1, 1]} : vector<256x1024xf32> to vector<256x128xf32>
    %slice3A_387 = vector.extract_strided_slice %concatenate3A_363 {offsets = [0, 896], sizes = [256, 128], strides = [1, 1]} : vector<256x1024xf32> to vector<256x128xf32>
    %lt3A_388 = arith.cmpf olt, %slice3A_387, %slice3A_386 : vector<256x128xf32>
    %min3A_389 = arith.minimumf %slice3A_386, %slice3A_387 : vector<256x128xf32>
    %slice3A_390 = vector.extract_strided_slice %concatenate3A_364 {offsets = [0, 768], sizes = [256, 128], strides = [1, 1]} : vector<256x1024xi32> to vector<256x128xi32>
    %slice3A_391 = vector.extract_strided_slice %concatenate3A_364 {offsets = [0, 896], sizes = [256, 128], strides = [1, 1]} : vector<256x1024xi32> to vector<256x128xi32>
    %select_n3A_392 = arith.select %lt3A_388, %slice3A_391, %slice3A_390 : vector<256x128xi1>, vector<256x128xi32>
    %concatenate3A_393 = tpu.concatenate %min3A_368, %min3A_375, %min3A_382, %min3A_389 in 1 : vector<256x128xf32>, vector<256x128xf32>, vector<256x128xf32>, vector<256x128xf32> -> vector<256x512xf32>
    %concatenate3A_394 = tpu.concatenate %select_n3A_371, %select_n3A_378, %select_n3A_385, %select_n3A_392 in 1 : vector<256x128xi32>, vector<256x128xi32>, vector<256x128xi32>, vector<256x128xi32> -> vector<256x512xi32>
    %slice3A_395 = vector.extract_strided_slice %concatenate3A_393 {offsets = [0, 0], sizes = [256, 128], strides = [1, 1]} : vector<256x512xf32> to vector<256x128xf32>
    %slice3A_396 = vector.extract_strided_slice %concatenate3A_393 {offsets = [0, 128], sizes = [256, 128], strides = [1, 1]} : vector<256x512xf32> to vector<256x128xf32>
    %lt3A_397 = arith.cmpf olt, %slice3A_396, %slice3A_395 : vector<256x128xf32>
    %min3A_398 = arith.minimumf %slice3A_395, %slice3A_396 : vector<256x128xf32>
    %slice3A_399 = vector.extract_strided_slice %concatenate3A_394 {offsets = [0, 0], sizes = [256, 128], strides = [1, 1]} : vector<256x512xi32> to vector<256x128xi32>
    %slice3A_400 = vector.extract_strided_slice %concatenate3A_394 {offsets = [0, 128], sizes = [256, 128], strides = [1, 1]} : vector<256x512xi32> to vector<256x128xi32>
    %select_n3A_401 = arith.select %lt3A_397, %slice3A_400, %slice3A_399 : vector<256x128xi1>, vector<256x128xi32>
    %slice3A_402 = vector.extract_strided_slice %concatenate3A_393 {offsets = [0, 256], sizes = [256, 128], strides = [1, 1]} : vector<256x512xf32> to vector<256x128xf32>
    %slice3A_403 = vector.extract_strided_slice %concatenate3A_393 {offsets = [0, 384], sizes = [256, 128], strides = [1, 1]} : vector<256x512xf32> to vector<256x128xf32>
    %lt3A_404 = arith.cmpf olt, %slice3A_403, %slice3A_402 : vector<256x128xf32>
    %min3A_405 = arith.minimumf %slice3A_402, %slice3A_403 : vector<256x128xf32>
    %slice3A_406 = vector.extract_strided_slice %concatenate3A_394 {offsets = [0, 256], sizes = [256, 128], strides = [1, 1]} : vector<256x512xi32> to vector<256x128xi32>
    %slice3A_407 = vector.extract_strided_slice %concatenate3A_394 {offsets = [0, 384], sizes = [256, 128], strides = [1, 1]} : vector<256x512xi32> to vector<256x128xi32>
    %select_n3A_408 = arith.select %lt3A_404, %slice3A_407, %slice3A_406 : vector<256x128xi1>, vector<256x128xi32>
    %concatenate3A_409 = tpu.concatenate %min3A_398, %min3A_405 in 1 : vector<256x128xf32>, vector<256x128xf32> -> vector<256x256xf32>
    %concatenate3A_410 = tpu.concatenate %select_n3A_401, %select_n3A_408 in 1 : vector<256x128xi32>, vector<256x128xi32> -> vector<256x256xi32>
    %slice3A_411 = vector.extract_strided_slice %concatenate3A_409 {offsets = [0, 0], sizes = [256, 128], strides = [1, 1]} : vector<256x256xf32> to vector<256x128xf32>
    %slice3A_412 = vector.extract_strided_slice %concatenate3A_409 {offsets = [0, 128], sizes = [256, 128], strides = [1, 1]} : vector<256x256xf32> to vector<256x128xf32>
    %lt3A_413 = arith.cmpf olt, %slice3A_412, %slice3A_411 : vector<256x128xf32>
    %min3A_414 = arith.minimumf %slice3A_411, %slice3A_412 : vector<256x128xf32>
    %slice3A_415 = vector.extract_strided_slice %concatenate3A_410 {offsets = [0, 0], sizes = [256, 128], strides = [1, 1]} : vector<256x256xi32> to vector<256x128xi32>
    %slice3A_416 = vector.extract_strided_slice %concatenate3A_410 {offsets = [0, 128], sizes = [256, 128], strides = [1, 1]} : vector<256x256xi32> to vector<256x128xi32>
    %select_n3A_417 = arith.select %lt3A_413, %slice3A_416, %slice3A_415 : vector<256x128xi1>, vector<256x128xi32>
    %lt3A_418 = arith.cmpf olt, %min3A_414, %select_n3A_277 : vector<256x128xf32>
    %select_n3A_419 = arith.select %lt3A_418, %min3A_414, %select_n3A_277 : vector<256x128xi1>, vector<256x128xf32>
    %select_n3A_420 = arith.select %lt3A_418, %select_n3A_417, %select_n3A_278 : vector<256x128xi1>, vector<256x128xi32>
    %get3A_421 = arith.constant 0 : index
    %get3A_422 = arith.constant 6144 : index
    %get3A_423 = vector.load %arg2[%get3A_421, %get3A_422] : memref<256x8192xf32, #tpu.memory_space<vmem>>, vector<256x2048xf32>
    %get3A_424 = arith.constant 0 : index
    %get3A_425 = arith.constant 6144 : index
    %get3A_426 = vector.load %arg3[%get3A_424, %get3A_425] : memref<8x8192xf32, #tpu.memory_space<vmem>>, vector<1x2048xf32>
    %dot_general3A_427 = arith.constant dense<0.000000e+00> : vector<256x2048xf32>
    %dot_general3A_428 = tpu.matmul %mul3A_5, %get3A_423, %dot_general3A_427 {dimension_numbers = #tpu.dot_dimension_numbers<[1], [0], [0], [1], [0, 0, 1, 1], [], []>, transpose_lhs_hint = false} : vector<256x256xf32>, vector<256x2048xf32>, vector<256x2048xf32> -> vector<256x2048xf32>
    %add3A_429 = vector.broadcast %broadcast_in_dim3A : vector<256x1xf32> to vector<256x2048xf32>
    %add3A_430 = vector.broadcast %get3A_426 : vector<1x2048xf32> to vector<256x2048xf32>
    %add3A_431 = arith.addf %add3A_429, %add3A_430 : vector<256x2048xf32>
    %add3A_432 = arith.addf %add3A_431, %dot_general3A_428 : vector<256x2048xf32>
    %slice3A_433 = vector.extract_strided_slice %add3A_432 {offsets = [0, 0], sizes = [256, 128], strides = [1, 1]} : vector<256x2048xf32> to vector<256x128xf32>
    %slice3A_434 = vector.extract_strided_slice %add3A_432 {offsets = [0, 128], sizes = [256, 128], strides = [1, 1]} : vector<256x2048xf32> to vector<256x128xf32>
    %lt3A_435 = arith.cmpf olt, %slice3A_434, %slice3A_433 : vector<256x128xf32>
    %min3A_436 = arith.minimumf %slice3A_433, %slice3A_434 : vector<256x128xf32>
    %jit3A_437 = arith.constant 49 : i32
    %jit3A_438 = arith.constant 48 : i32
    %broadcast_in_dim3A_439 = vector.broadcast %jit3A_437 : i32 to vector<256x128xi32>
    %broadcast_in_dim3A_440 = vector.broadcast %jit3A_438 : i32 to vector<256x128xi32>
    %select_n3A_441 = arith.select %lt3A_435, %broadcast_in_dim3A_439, %broadcast_in_dim3A_440 : vector<256x128xi1>, vector<256x128xi32>
    %slice3A_442 = vector.extract_strided_slice %add3A_432 {offsets = [0, 256], sizes = [256, 128], strides = [1, 1]} : vector<256x2048xf32> to vector<256x128xf32>
    %slice3A_443 = vector.extract_strided_slice %add3A_432 {offsets = [0, 384], sizes = [256, 128], strides = [1, 1]} : vector<256x2048xf32> to vector<256x128xf32>
    %lt3A_444 = arith.cmpf olt, %slice3A_443, %slice3A_442 : vector<256x128xf32>
    %min3A_445 = arith.minimumf %slice3A_442, %slice3A_443 : vector<256x128xf32>
    %jit3A_446 = arith.constant 51 : i32
    %jit3A_447 = arith.constant 50 : i32
    %broadcast_in_dim3A_448 = vector.broadcast %jit3A_446 : i32 to vector<256x128xi32>
    %broadcast_in_dim3A_449 = vector.broadcast %jit3A_447 : i32 to vector<256x128xi32>
    %select_n3A_450 = arith.select %lt3A_444, %broadcast_in_dim3A_448, %broadcast_in_dim3A_449 : vector<256x128xi1>, vector<256x128xi32>
    %slice3A_451 = vector.extract_strided_slice %add3A_432 {offsets = [0, 512], sizes = [256, 128], strides = [1, 1]} : vector<256x2048xf32> to vector<256x128xf32>
    %slice3A_452 = vector.extract_strided_slice %add3A_432 {offsets = [0, 640], sizes = [256, 128], strides = [1, 1]} : vector<256x2048xf32> to vector<256x128xf32>
    %lt3A_453 = arith.cmpf olt, %slice3A_452, %slice3A_451 : vector<256x128xf32>
    %min3A_454 = arith.minimumf %slice3A_451, %slice3A_452 : vector<256x128xf32>
    %jit3A_455 = arith.constant 53 : i32
    %jit3A_456 = arith.constant 52 : i32
    %broadcast_in_dim3A_457 = vector.broadcast %jit3A_455 : i32 to vector<256x128xi32>
    %broadcast_in_dim3A_458 = vector.broadcast %jit3A_456 : i32 to vector<256x128xi32>
    %select_n3A_459 = arith.select %lt3A_453, %broadcast_in_dim3A_457, %broadcast_in_dim3A_458 : vector<256x128xi1>, vector<256x128xi32>
    %slice3A_460 = vector.extract_strided_slice %add3A_432 {offsets = [0, 768], sizes = [256, 128], strides = [1, 1]} : vector<256x2048xf32> to vector<256x128xf32>
    %slice3A_461 = vector.extract_strided_slice %add3A_432 {offsets = [0, 896], sizes = [256, 128], strides = [1, 1]} : vector<256x2048xf32> to vector<256x128xf32>
    %lt3A_462 = arith.cmpf olt, %slice3A_461, %slice3A_460 : vector<256x128xf32>
    %min3A_463 = arith.minimumf %slice3A_460, %slice3A_461 : vector<256x128xf32>
    %jit3A_464 = arith.constant 55 : i32
    %jit3A_465 = arith.constant 54 : i32
    %broadcast_in_dim3A_466 = vector.broadcast %jit3A_464 : i32 to vector<256x128xi32>
    %broadcast_in_dim3A_467 = vector.broadcast %jit3A_465 : i32 to vector<256x128xi32>
    %select_n3A_468 = arith.select %lt3A_462, %broadcast_in_dim3A_466, %broadcast_in_dim3A_467 : vector<256x128xi1>, vector<256x128xi32>
    %slice3A_469 = vector.extract_strided_slice %add3A_432 {offsets = [0, 1024], sizes = [256, 128], strides = [1, 1]} : vector<256x2048xf32> to vector<256x128xf32>
    %slice3A_470 = vector.extract_strided_slice %add3A_432 {offsets = [0, 1152], sizes = [256, 128], strides = [1, 1]} : vector<256x2048xf32> to vector<256x128xf32>
    %lt3A_471 = arith.cmpf olt, %slice3A_470, %slice3A_469 : vector<256x128xf32>
    %min3A_472 = arith.minimumf %slice3A_469, %slice3A_470 : vector<256x128xf32>
    %jit3A_473 = arith.constant 57 : i32
    %jit3A_474 = arith.constant 56 : i32
    %broadcast_in_dim3A_475 = vector.broadcast %jit3A_473 : i32 to vector<256x128xi32>
    %broadcast_in_dim3A_476 = vector.broadcast %jit3A_474 : i32 to vector<256x128xi32>
    %select_n3A_477 = arith.select %lt3A_471, %broadcast_in_dim3A_475, %broadcast_in_dim3A_476 : vector<256x128xi1>, vector<256x128xi32>
    %slice3A_478 = vector.extract_strided_slice %add3A_432 {offsets = [0, 1280], sizes = [256, 128], strides = [1, 1]} : vector<256x2048xf32> to vector<256x128xf32>
    %slice3A_479 = vector.extract_strided_slice %add3A_432 {offsets = [0, 1408], sizes = [256, 128], strides = [1, 1]} : vector<256x2048xf32> to vector<256x128xf32>
    %lt3A_480 = arith.cmpf olt, %slice3A_479, %slice3A_478 : vector<256x128xf32>
    %min3A_481 = arith.minimumf %slice3A_478, %slice3A_479 : vector<256x128xf32>
    %jit3A_482 = arith.constant 59 : i32
    %jit3A_483 = arith.constant 58 : i32
    %broadcast_in_dim3A_484 = vector.broadcast %jit3A_482 : i32 to vector<256x128xi32>
    %broadcast_in_dim3A_485 = vector.broadcast %jit3A_483 : i32 to vector<256x128xi32>
    %select_n3A_486 = arith.select %lt3A_480, %broadcast_in_dim3A_484, %broadcast_in_dim3A_485 : vector<256x128xi1>, vector<256x128xi32>
    %slice3A_487 = vector.extract_strided_slice %add3A_432 {offsets = [0, 1536], sizes = [256, 128], strides = [1, 1]} : vector<256x2048xf32> to vector<256x128xf32>
    %slice3A_488 = vector.extract_strided_slice %add3A_432 {offsets = [0, 1664], sizes = [256, 128], strides = [1, 1]} : vector<256x2048xf32> to vector<256x128xf32>
    %lt3A_489 = arith.cmpf olt, %slice3A_488, %slice3A_487 : vector<256x128xf32>
    %min3A_490 = arith.minimumf %slice3A_487, %slice3A_488 : vector<256x128xf32>
    %jit3A_491 = arith.constant 61 : i32
    %jit3A_492 = arith.constant 60 : i32
    %broadcast_in_dim3A_493 = vector.broadcast %jit3A_491 : i32 to vector<256x128xi32>
    %broadcast_in_dim3A_494 = vector.broadcast %jit3A_492 : i32 to vector<256x128xi32>
    %select_n3A_495 = arith.select %lt3A_489, %broadcast_in_dim3A_493, %broadcast_in_dim3A_494 : vector<256x128xi1>, vector<256x128xi32>
    %slice3A_496 = vector.extract_strided_slice %add3A_432 {offsets = [0, 1792], sizes = [256, 128], strides = [1, 1]} : vector<256x2048xf32> to vector<256x128xf32>
    %slice3A_497 = vector.extract_strided_slice %add3A_432 {offsets = [0, 1920], sizes = [256, 128], strides = [1, 1]} : vector<256x2048xf32> to vector<256x128xf32>
    %lt3A_498 = arith.cmpf olt, %slice3A_497, %slice3A_496 : vector<256x128xf32>
    %min3A_499 = arith.minimumf %slice3A_496, %slice3A_497 : vector<256x128xf32>
    %jit3A_500 = arith.constant 63 : i32
    %jit3A_501 = arith.constant 62 : i32
    %broadcast_in_dim3A_502 = vector.broadcast %jit3A_500 : i32 to vector<256x128xi32>
    %broadcast_in_dim3A_503 = vector.broadcast %jit3A_501 : i32 to vector<256x128xi32>
    %select_n3A_504 = arith.select %lt3A_498, %broadcast_in_dim3A_502, %broadcast_in_dim3A_503 : vector<256x128xi1>, vector<256x128xi32>
    %concatenate3A_505 = tpu.concatenate %min3A_436, %min3A_445, %min3A_454, %min3A_463, %min3A_472, %min3A_481, %min3A_490, %min3A_499 in 1 : vector<256x128xf32>, vector<256x128xf32>, vector<256x128xf32>, vector<256x128xf32>, vector<256x128xf32>, vector<256x128xf32>, vector<256x128xf32>, vector<256x128xf32> -> vector<256x1024xf32>
    %concatenate3A_506 = tpu.concatenate %select_n3A_441, %select_n3A_450, %select_n3A_459, %select_n3A_468, %select_n3A_477, %select_n3A_486, %select_n3A_495, %select_n3A_504 in 1 : vector<256x128xi32>, vector<256x128xi32>, vector<256x128xi32>, vector<256x128xi32>, vector<256x128xi32>, vector<256x128xi32>, vector<256x128xi32>, vector<256x128xi32> -> vector<256x1024xi32>
    %slice3A_507 = vector.extract_strided_slice %concatenate3A_505 {offsets = [0, 0], sizes = [256, 128], strides = [1, 1]} : vector<256x1024xf32> to vector<256x128xf32>
    %slice3A_508 = vector.extract_strided_slice %concatenate3A_505 {offsets = [0, 128], sizes = [256, 128], strides = [1, 1]} : vector<256x1024xf32> to vector<256x128xf32>
    %lt3A_509 = arith.cmpf olt, %slice3A_508, %slice3A_507 : vector<256x128xf32>
    %min3A_510 = arith.minimumf %slice3A_507, %slice3A_508 : vector<256x128xf32>
    %slice3A_511 = vector.extract_strided_slice %concatenate3A_506 {offsets = [0, 0], sizes = [256, 128], strides = [1, 1]} : vector<256x1024xi32> to vector<256x128xi32>
    %slice3A_512 = vector.extract_strided_slice %concatenate3A_506 {offsets = [0, 128], sizes = [256, 128], strides = [1, 1]} : vector<256x1024xi32> to vector<256x128xi32>
    %select_n3A_513 = arith.select %lt3A_509, %slice3A_512, %slice3A_511 : vector<256x128xi1>, vector<256x128xi32>
    %slice3A_514 = vector.extract_strided_slice %concatenate3A_505 {offsets = [0, 256], sizes = [256, 128], strides = [1, 1]} : vector<256x1024xf32> to vector<256x128xf32>
    %slice3A_515 = vector.extract_strided_slice %concatenate3A_505 {offsets = [0, 384], sizes = [256, 128], strides = [1, 1]} : vector<256x1024xf32> to vector<256x128xf32>
    %lt3A_516 = arith.cmpf olt, %slice3A_515, %slice3A_514 : vector<256x128xf32>
    %min3A_517 = arith.minimumf %slice3A_514, %slice3A_515 : vector<256x128xf32>
    %slice3A_518 = vector.extract_strided_slice %concatenate3A_506 {offsets = [0, 256], sizes = [256, 128], strides = [1, 1]} : vector<256x1024xi32> to vector<256x128xi32>
    %slice3A_519 = vector.extract_strided_slice %concatenate3A_506 {offsets = [0, 384], sizes = [256, 128], strides = [1, 1]} : vector<256x1024xi32> to vector<256x128xi32>
    %select_n3A_520 = arith.select %lt3A_516, %slice3A_519, %slice3A_518 : vector<256x128xi1>, vector<256x128xi32>
    %slice3A_521 = vector.extract_strided_slice %concatenate3A_505 {offsets = [0, 512], sizes = [256, 128], strides = [1, 1]} : vector<256x1024xf32> to vector<256x128xf32>
    %slice3A_522 = vector.extract_strided_slice %concatenate3A_505 {offsets = [0, 640], sizes = [256, 128], strides = [1, 1]} : vector<256x1024xf32> to vector<256x128xf32>
    %lt3A_523 = arith.cmpf olt, %slice3A_522, %slice3A_521 : vector<256x128xf32>
    %min3A_524 = arith.minimumf %slice3A_521, %slice3A_522 : vector<256x128xf32>
    %slice3A_525 = vector.extract_strided_slice %concatenate3A_506 {offsets = [0, 512], sizes = [256, 128], strides = [1, 1]} : vector<256x1024xi32> to vector<256x128xi32>
    %slice3A_526 = vector.extract_strided_slice %concatenate3A_506 {offsets = [0, 640], sizes = [256, 128], strides = [1, 1]} : vector<256x1024xi32> to vector<256x128xi32>
    %select_n3A_527 = arith.select %lt3A_523, %slice3A_526, %slice3A_525 : vector<256x128xi1>, vector<256x128xi32>
    %slice3A_528 = vector.extract_strided_slice %concatenate3A_505 {offsets = [0, 768], sizes = [256, 128], strides = [1, 1]} : vector<256x1024xf32> to vector<256x128xf32>
    %slice3A_529 = vector.extract_strided_slice %concatenate3A_505 {offsets = [0, 896], sizes = [256, 128], strides = [1, 1]} : vector<256x1024xf32> to vector<256x128xf32>
    %lt3A_530 = arith.cmpf olt, %slice3A_529, %slice3A_528 : vector<256x128xf32>
    %min3A_531 = arith.minimumf %slice3A_528, %slice3A_529 : vector<256x128xf32>
    %slice3A_532 = vector.extract_strided_slice %concatenate3A_506 {offsets = [0, 768], sizes = [256, 128], strides = [1, 1]} : vector<256x1024xi32> to vector<256x128xi32>
    %slice3A_533 = vector.extract_strided_slice %concatenate3A_506 {offsets = [0, 896], sizes = [256, 128], strides = [1, 1]} : vector<256x1024xi32> to vector<256x128xi32>
    %select_n3A_534 = arith.select %lt3A_530, %slice3A_533, %slice3A_532 : vector<256x128xi1>, vector<256x128xi32>
    %concatenate3A_535 = tpu.concatenate %min3A_510, %min3A_517, %min3A_524, %min3A_531 in 1 : vector<256x128xf32>, vector<256x128xf32>, vector<256x128xf32>, vector<256x128xf32> -> vector<256x512xf32>
    %concatenate3A_536 = tpu.concatenate %select_n3A_513, %select_n3A_520, %select_n3A_527, %select_n3A_534 in 1 : vector<256x128xi32>, vector<256x128xi32>, vector<256x128xi32>, vector<256x128xi32> -> vector<256x512xi32>
    %slice3A_537 = vector.extract_strided_slice %concatenate3A_535 {offsets = [0, 0], sizes = [256, 128], strides = [1, 1]} : vector<256x512xf32> to vector<256x128xf32>
    %slice3A_538 = vector.extract_strided_slice %concatenate3A_535 {offsets = [0, 128], sizes = [256, 128], strides = [1, 1]} : vector<256x512xf32> to vector<256x128xf32>
    %lt3A_539 = arith.cmpf olt, %slice3A_538, %slice3A_537 : vector<256x128xf32>
    %min3A_540 = arith.minimumf %slice3A_537, %slice3A_538 : vector<256x128xf32>
    %slice3A_541 = vector.extract_strided_slice %concatenate3A_536 {offsets = [0, 0], sizes = [256, 128], strides = [1, 1]} : vector<256x512xi32> to vector<256x128xi32>
    %slice3A_542 = vector.extract_strided_slice %concatenate3A_536 {offsets = [0, 128], sizes = [256, 128], strides = [1, 1]} : vector<256x512xi32> to vector<256x128xi32>
    %select_n3A_543 = arith.select %lt3A_539, %slice3A_542, %slice3A_541 : vector<256x128xi1>, vector<256x128xi32>
    %slice3A_544 = vector.extract_strided_slice %concatenate3A_535 {offsets = [0, 256], sizes = [256, 128], strides = [1, 1]} : vector<256x512xf32> to vector<256x128xf32>
    %slice3A_545 = vector.extract_strided_slice %concatenate3A_535 {offsets = [0, 384], sizes = [256, 128], strides = [1, 1]} : vector<256x512xf32> to vector<256x128xf32>
    %lt3A_546 = arith.cmpf olt, %slice3A_545, %slice3A_544 : vector<256x128xf32>
    %min3A_547 = arith.minimumf %slice3A_544, %slice3A_545 : vector<256x128xf32>
    %slice3A_548 = vector.extract_strided_slice %concatenate3A_536 {offsets = [0, 256], sizes = [256, 128], strides = [1, 1]} : vector<256x512xi32> to vector<256x128xi32>
    %slice3A_549 = vector.extract_strided_slice %concatenate3A_536 {offsets = [0, 384], sizes = [256, 128], strides = [1, 1]} : vector<256x512xi32> to vector<256x128xi32>
    %select_n3A_550 = arith.select %lt3A_546, %slice3A_549, %slice3A_548 : vector<256x128xi1>, vector<256x128xi32>
    %concatenate3A_551 = tpu.concatenate %min3A_540, %min3A_547 in 1 : vector<256x128xf32>, vector<256x128xf32> -> vector<256x256xf32>
    %concatenate3A_552 = tpu.concatenate %select_n3A_543, %select_n3A_550 in 1 : vector<256x128xi32>, vector<256x128xi32> -> vector<256x256xi32>
    %slice3A_553 = vector.extract_strided_slice %concatenate3A_551 {offsets = [0, 0], sizes = [256, 128], strides = [1, 1]} : vector<256x256xf32> to vector<256x128xf32>
    %slice3A_554 = vector.extract_strided_slice %concatenate3A_551 {offsets = [0, 128], sizes = [256, 128], strides = [1, 1]} : vector<256x256xf32> to vector<256x128xf32>
    %lt3A_555 = arith.cmpf olt, %slice3A_554, %slice3A_553 : vector<256x128xf32>
    %min3A_556 = arith.minimumf %slice3A_553, %slice3A_554 : vector<256x128xf32>
    %slice3A_557 = vector.extract_strided_slice %concatenate3A_552 {offsets = [0, 0], sizes = [256, 128], strides = [1, 1]} : vector<256x256xi32> to vector<256x128xi32>
    %slice3A_558 = vector.extract_strided_slice %concatenate3A_552 {offsets = [0, 128], sizes = [256, 128], strides = [1, 1]} : vector<256x256xi32> to vector<256x128xi32>
    %select_n3A_559 = arith.select %lt3A_555, %slice3A_558, %slice3A_557 : vector<256x128xi1>, vector<256x128xi32>
    %lt3A_560 = arith.cmpf olt, %min3A_556, %select_n3A_419 : vector<256x128xf32>
    %select_n3A_561 = arith.select %lt3A_560, %min3A_556, %select_n3A_419 : vector<256x128xi1>, vector<256x128xf32>
    %select_n3A_562 = arith.select %lt3A_560, %select_n3A_559, %select_n3A_420 : vector<256x128xi1>, vector<256x128xi32>
    %iota3A = tpu.iota {dimensions = array<i32: 1>} : vector<256x128xi32>
    %mul3A_563 = arith.constant 128 : i32
    %mul3A_564 = vector.broadcast %mul3A_563 : i32 to vector<256x128xi32>
    %mul3A_565 = arith.muli %select_n3A_562, %mul3A_564 : vector<256x128xi32>
    %add3A_566 = arith.addi %mul3A_565, %iota3A : vector<256x128xi32>
    %reduce_min3A = arith.constant dense<0x7F800000> : vector<256xf32>
    %reduce_min3A_567 = vector.multi_reduction <minimumf>, %select_n3A_561, %reduce_min3A [1] : vector<256x128xf32> to vector<256xf32>
    %broadcast_in_dim3A_568 = vector.shape_cast %reduce_min3A_567 : vector<256xf32> to vector<256x1xf32>
    %eq3A = vector.broadcast %broadcast_in_dim3A_568 : vector<256x1xf32> to vector<256x128xf32>
    %eq3A_569 = arith.cmpf oeq, %select_n3A_561, %eq3A : vector<256x128xf32>
    %jit3A_570 = arith.constant 1073741824 : i32
    %broadcast_in_dim3A_571 = vector.broadcast %jit3A_570 : i32 to vector<256x128xi32>
    %select_n3A_572 = arith.select %eq3A_569, %add3A_566, %broadcast_in_dim3A_571 : vector<256x128xi1>, vector<256x128xi32>
    %reduce_min3A_573 = arith.constant dense<2147483647> : vector<256xi32>
    %reduce_min3A_574 = vector.multi_reduction <minsi>, %select_n3A_572, %reduce_min3A_573 [1] : vector<256x128xi32> to vector<256xi32>
    %broadcast_in_dim3A_575 = vector.shape_cast %reduce_min3A_574 : vector<256xi32> to vector<256x1xi32>
    %swap3A = arith.constant 0 : index
    %swap3A_576 = arith.constant 0 : index
    %swap3A_577 = vector.load %arg4[%swap3A, %swap3A_576] : memref<256x1xi32, #tpu.memory_space<vmem>>, vector<256x1xi32>
    tpu.vector_store %arg4[%swap3A, %swap3A_576], %broadcast_in_dim3A_575 {strides = array<i32>} : memref<256x1xi32, #tpu.memory_space<vmem>>, vector<256x1xi32>,
    %swap3A_578 = arith.constant 0 : index
    %swap3A_579 = arith.constant 0 : index
    %swap3A_580 = vector.load %arg5[%swap3A_578, %swap3A_579] : memref<256x1xf32, #tpu.memory_space<vmem>>, vector<256x1xf32>
    tpu.vector_store %arg5[%swap3A_578, %swap3A_579], %broadcast_in_dim3A_568 {strides = array<i32>} : memref<256x1xf32, #tpu.memory_space<vmem>>, vector<256x1xf32>,
    return
  }
  func.func @transform_0(%arg0: i32) -> (i32, i32) {
    %c0_i32 = arith.constant 0 : i32
    %c0_i32_0 = arith.constant 0 : i32
    return %arg0, %c0_i32 : i32, i32
  }
  func.func @transform_1(%arg0: i32) -> (i32, i32) {
    %c0_i32 = arith.constant 0 : i32
    %c0_i32_0 = arith.constant 0 : i32
    %c0_i32_1 = arith.constant 0 : i32
    return %c0_i32, %c0_i32_0 : i32, i32
  }
  func.func @transform_2(%arg0: i32) -> (i32, i32) {
    %c0_i32 = arith.constant 0 : i32
    %c0_i32_0 = arith.constant 0 : i32
    %c0_i32_1 = arith.constant 0 : i32
    return %c0_i32, %c0_i32_0 : i32, i32
  }
  func.func @transform_3(%arg0: i32) -> (i32, i32) {
    %c0_i32 = arith.constant 0 : i32
    %c0_i32_0 = arith.constant 0 : i32
    return %arg0, %c0_i32 : i32, i32
  }
  func.func @transform_4(%arg0: i32) -> (i32, i32) {
    %c0_i32 = arith.constant 0 : i32
    %c0_i32_0 = arith.constant 0 : i32
    return %arg0, %c0_i32 : i32, i32
  }
}

module attributes {stable_mosaic.version = 14 : i64} {
  func.func @_k0_body(%arg0: i32, %arg1: memref<512x256xf32, #tpu.memory_space<vmem>>, %arg2: memref<256x256xf32, #tpu.memory_space<vmem>>, %arg3: memref<1x256xf32, #tpu.memory_space<vmem>>, %arg4: memref<512x256xf32, #tpu.memory_space<vmem>>, %arg5: memref<256x512xf32, #tpu.memory_space<vmem>>, %arg6: memref<8x512xf32, #tpu.memory_space<vmem>>) attributes {dimension_semantics = [#tpu.dimension_semantics<arbitrary>], iteration_bounds = array<i64: 16>, scalar_prefetch = 0 : i64, scratch_operands = 0 : i64, tpu.core_type = #tpu.core_type<tc>, window_params = [{transform_indices = @transform_0, window_bounds = array<i64: 512, 256>}, {pipeline_mode = #tpu.pipeline_mode<synchronous>, transform_indices = @transform_1, window_bounds = array<i64: 256, 256>}, {pipeline_mode = #tpu.pipeline_mode<synchronous>, transform_indices = @transform_2, window_bounds = array<i64: 1, 256>}, {transform_indices = @transform_3, window_bounds = array<i64: 512, 256>}, {transform_indices = @transform_4, window_bounds = array<i64: 256, 512>}, {transform_indices = @transform_5, window_bounds = array<i64: 8, 512>}]} {
    %get3A = arith.constant 0 : index
    %get3A_0 = arith.constant 0 : index
    %get3A_1 = vector.load %arg1[%get3A, %get3A_0] : memref<512x256xf32, #tpu.memory_space<vmem>>, vector<512x256xf32>
    %get3A_2 = arith.constant 0 : index
    %get3A_3 = arith.constant 0 : index
    %get3A_4 = vector.load %arg2[%get3A_2, %get3A_3] : memref<256x256xf32, #tpu.memory_space<vmem>>, vector<256x256xf32>
    %dot_general3A = arith.constant dense<0.000000e+00> : vector<512x256xf32>
    %dot_general3A_5 = tpu.matmul %get3A_1, %get3A_4, %dot_general3A {dimension_numbers = #tpu.dot_dimension_numbers<[1], [1], [0], [0], [0, 0, 1, 0], [], []>, transpose_lhs_hint = false} : vector<512x256xf32>, vector<256x256xf32>, vector<512x256xf32> -> vector<512x256xf32>
    %get3A_6 = arith.constant 0 : index
    %get3A_7 = arith.constant 0 : index
    %get3A_8 = vector.load %arg3[%get3A_6, %get3A_7] : memref<1x256xf32, #tpu.memory_space<vmem>>, vector<1x256xf32>
    %add3A = vector.broadcast %get3A_8 : vector<1x256xf32> to vector<512x256xf32>
    %add3A_9 = arith.addf %dot_general3A_5, %add3A : vector<512x256xf32>
    %swap3A = arith.constant 0 : index
    %swap3A_10 = arith.constant 0 : index
    %swap3A_11 = vector.load %arg4[%swap3A, %swap3A_10] : memref<512x256xf32, #tpu.memory_space<vmem>>, vector<512x256xf32>
    tpu.vector_store %arg4[%swap3A, %swap3A_10], %add3A_9 {strides = array<i32>} : memref<512x256xf32, #tpu.memory_space<vmem>>, vector<512x256xf32>,
    %transpose3A = tpu.transpose %add3A_9, [1, 0] : vector<512x256xf32> -> vector<256x512xf32>
    %swap3A_12 = arith.constant 0 : index
    %swap3A_13 = arith.constant 0 : index
    %swap3A_14 = vector.load %arg5[%swap3A_12, %swap3A_13] : memref<256x512xf32, #tpu.memory_space<vmem>>, vector<256x512xf32>
    tpu.vector_store %arg5[%swap3A_12, %swap3A_13], %transpose3A {strides = array<i32>} : memref<256x512xf32, #tpu.memory_space<vmem>>, vector<256x512xf32>,
    %mul3A = arith.mulf %transpose3A, %transpose3A : vector<256x512xf32>
    %reduce_sum3A = arith.constant dense<0.000000e+00> : vector<512xf32>
    %reduce_sum3A_15 = vector.multi_reduction <add>, %mul3A, %reduce_sum3A [0] : vector<256x512xf32> to vector<512xf32>
    %broadcast_in_dim3A = vector.shape_cast %reduce_sum3A_15 : vector<512xf32> to vector<1x512xf32>
    %broadcast_in_dim3A_16 = vector.shape_cast %broadcast_in_dim3A : vector<1x512xf32> to vector<1x512xf32>
    %broadcast_in_dim3A_17 = vector.broadcast %broadcast_in_dim3A_16 : vector<1x512xf32> to vector<8x512xf32>
    %swap3A_18 = arith.constant 0 : index
    %swap3A_19 = arith.constant 0 : index
    %swap3A_20 = vector.load %arg6[%swap3A_18, %swap3A_19] : memref<8x512xf32, #tpu.memory_space<vmem>>, vector<8x512xf32>
    tpu.vector_store %arg6[%swap3A_18, %swap3A_19], %broadcast_in_dim3A_17 {strides = array<i32>} : memref<8x512xf32, #tpu.memory_space<vmem>>, vector<8x512xf32>,
    return
  }
  func.func @transform_0(%arg0: i32) -> (i32, i32) {
    %c0_i32 = arith.constant 0 : i32
    %c0_i32_0 = arith.constant 0 : i32
    return %arg0, %c0_i32 : i32, i32
  }
  func.func @transform_1(%arg0: i32) -> (i32, i32) {
    %c0_i32 = arith.constant 0 : i32
    %c0_i32_0 = arith.constant 0 : i32
    %c0_i32_1 = arith.constant 0 : i32
    return %c0_i32, %c0_i32_0 : i32, i32
  }
  func.func @transform_2(%arg0: i32) -> (i32, i32) {
    %c0_i32 = arith.constant 0 : i32
    %c0_i32_0 = arith.constant 0 : i32
    %c0_i32_1 = arith.constant 0 : i32
    return %c0_i32, %c0_i32_0 : i32, i32
  }
  func.func @transform_3(%arg0: i32) -> (i32, i32) {
    %c0_i32 = arith.constant 0 : i32
    %c0_i32_0 = arith.constant 0 : i32
    return %arg0, %c0_i32 : i32, i32
  }
  func.func @transform_4(%arg0: i32) -> (i32, i32) {
    %c0_i32 = arith.constant 0 : i32
    %c0_i32_0 = arith.constant 0 : i32
    return %c0_i32, %arg0 : i32, i32
  }
  func.func @transform_5(%arg0: i32) -> (i32, i32) {
    %c0_i32 = arith.constant 0 : i32
    %c0_i32_0 = arith.constant 0 : i32
    return %c0_i32, %arg0 : i32, i32
  }
}

module attributes {stable_mosaic.version = 14 : i64} {
  func.func @_k2_body(%arg0: memref<4608x1xf32, #tpu.memory_space<vmem>>, %arg1: memref<4608x1xf32, #tpu.memory_space<vmem>>, %arg2: memref<32x8192xf32, #tpu.memory_space<vmem>>, %arg3: memref<32x8192xf32, #tpu.memory_space<vmem>>, %arg4: memref<1x8192xf32, #tpu.memory_space<vmem>>, %arg5: memref<8x128xf32, #tpu.memory_space<vmem>>) attributes {dimension_semantics = [], scalar_prefetch = 0 : i64, scratch_operands = 0 : i64, tpu.core_type = #tpu.core_type<tc>} {
    %get3A = arith.constant 0 : index
    %get3A_0 = arith.constant 0 : index
    %get3A_1 = vector.load %arg2[%get3A, %get3A_0] : memref<32x8192xf32, #tpu.memory_space<vmem>>, vector<32x8192xf32>
    %reduce_sum3A = arith.constant dense<0.000000e+00> : vector<8192xf32>
    %reduce_sum3A_2 = vector.multi_reduction <add>, %get3A_1, %reduce_sum3A [0] : vector<32x8192xf32> to vector<8192xf32>
    %get3A_3 = arith.constant 0 : index
    %get3A_4 = arith.constant 0 : index
    %get3A_5 = vector.load %arg3[%get3A_3, %get3A_4] : memref<32x8192xf32, #tpu.memory_space<vmem>>, vector<32x8192xf32>
    %reduce_sum3A_6 = arith.constant dense<0.000000e+00> : vector<8192xf32>
    %reduce_sum3A_7 = vector.multi_reduction <add>, %get3A_5, %reduce_sum3A_6 [0] : vector<32x8192xf32> to vector<8192xf32>
    %add3A = arith.addf %reduce_sum3A_2, %reduce_sum3A_7 : vector<8192xf32>
    %div3A = arith.constant 9.216000e+03 : f32
    %div3A_8 = vector.broadcast %div3A : f32 to vector<8192xf32>
    %div3A_9 = arith.divf %add3A, %div3A_8 : vector<8192xf32>
    %add3A_10 = arith.constant 1.000000e-10 : f32
    %add3A_11 = vector.broadcast %add3A_10 : f32 to vector<8192xf32>
    %add3A_12 = arith.addf %div3A_9, %add3A_11 : vector<8192xf32>
    %log3A = math.log %add3A_12 : vector<8192xf32>
    %mul3A = arith.mulf %div3A_9, %log3A : vector<8192xf32>
    %reduce_sum3A_13 = vector.shape_cast %mul3A : vector<8192xf32> to vector<1x8192xf32>
    %reduce_sum3A_14 = arith.constant dense<0.000000e+00> : vector<1xf32>
    %reduce_sum3A_15 = vector.multi_reduction <add>, %reduce_sum3A_13, %reduce_sum3A_14 [1] : vector<1x8192xf32> to vector<1xf32>
    %reduce_sum3A_16 = vector.shape_cast %reduce_sum3A_15 : vector<1xf32> to vector<1x1xf32>
    %reduce_sum3A_17 = vector.extract %reduce_sum3A_16[0, 0] : f32 from vector<1x1xf32>
    %neg3A = arith.constant 0.000000e+00 : f32
    %neg3A_18 = arith.subf %neg3A, %reduce_sum3A_17 : f32
    %exp3A = math.exp %neg3A_18 : f32
    %get3A_19 = arith.constant 0 : index
    %get3A_20 = arith.constant 0 : index
    %get3A_21 = vector.load %arg4[%get3A_19, %get3A_20] : memref<1x8192xf32, #tpu.memory_space<vmem>>, vector<1x8192xf32>
    %mul3A_22 = arith.constant 9.900000e-01 : f32
    %mul3A_23 = vector.broadcast %mul3A_22 : f32 to vector<1x8192xf32>
    %mul3A_24 = arith.mulf %get3A_21, %mul3A_23 : vector<1x8192xf32>
    %mul3A_25 = arith.constant 0.00999999977 : f32
    %mul3A_26 = vector.broadcast %mul3A_25 : f32 to vector<8192xf32>
    %mul3A_27 = arith.mulf %mul3A_26, %div3A_9 : vector<8192xf32>
    %broadcast_in_dim3A = vector.shape_cast %mul3A_27 : vector<8192xf32> to vector<1x8192xf32>
    %add3A_28 = arith.addf %mul3A_24, %broadcast_in_dim3A : vector<1x8192xf32>
    %add3A_29 = arith.constant 1.000000e-10 : f32
    %add3A_30 = vector.broadcast %add3A_29 : f32 to vector<1x8192xf32>
    %add3A_31 = arith.addf %add3A_28, %add3A_30 : vector<1x8192xf32>
    %log3A_32 = math.log %add3A_31 : vector<1x8192xf32>
    %mul3A_33 = arith.mulf %add3A_28, %log3A_32 : vector<1x8192xf32>
    %reduce_sum3A_34 = vector.shape_cast %mul3A_33 : vector<1x8192xf32> to vector<1x1x8192xf32>
    %reduce_sum3A_35 = arith.constant dense<0.000000e+00> : vector<1xf32>
    %reduce_sum3A_36 = vector.multi_reduction <add>, %reduce_sum3A_34, %reduce_sum3A_35 [1, 2] : vector<1x1x8192xf32> to vector<1xf32>
    %reduce_sum3A_37 = vector.shape_cast %reduce_sum3A_36 : vector<1xf32> to vector<1x1x1xf32>
    %reduce_sum3A_38 = vector.extract %reduce_sum3A_37[0, 0, 0] : f32 from vector<1x1x1xf32>
    %neg3A_39 = arith.constant 0.000000e+00 : f32
    %neg3A_40 = arith.subf %neg3A_39, %reduce_sum3A_38 : f32
    %get3A_41 = arith.constant 0 : index
    %get3A_42 = arith.constant 0 : index
    %get3A_43 = vector.load %arg0[%get3A_41, %get3A_42] : memref<4608x1xf32, #tpu.memory_space<vmem>>, vector<4608x1xf32>
    %reduce_sum3A_44 = vector.shape_cast %get3A_43 : vector<4608x1xf32> to vector<1x4608x1xf32>
    %reduce_sum3A_45 = arith.constant dense<0.000000e+00> : vector<1xf32>
    %reduce_sum3A_46 = vector.multi_reduction <add>, %reduce_sum3A_44, %reduce_sum3A_45 [1, 2] : vector<1x4608x1xf32> to vector<1xf32>
    %reduce_sum3A_47 = vector.shape_cast %reduce_sum3A_46 : vector<1xf32> to vector<1x1x1xf32>
    %reduce_sum3A_48 = vector.extract %reduce_sum3A_47[0, 0, 0] : f32 from vector<1x1x1xf32>
    %get3A_49 = arith.constant 0 : index
    %get3A_50 = arith.constant 0 : index
    %get3A_51 = vector.load %arg1[%get3A_49, %get3A_50] : memref<4608x1xf32, #tpu.memory_space<vmem>>, vector<4608x1xf32>
    %reduce_sum3A_52 = vector.shape_cast %get3A_51 : vector<4608x1xf32> to vector<1x4608x1xf32>
    %reduce_sum3A_53 = arith.constant dense<0.000000e+00> : vector<1xf32>
    %reduce_sum3A_54 = vector.multi_reduction <add>, %reduce_sum3A_52, %reduce_sum3A_53 [1, 2] : vector<1x4608x1xf32> to vector<1xf32>
    %reduce_sum3A_55 = vector.shape_cast %reduce_sum3A_54 : vector<1xf32> to vector<1x1x1xf32>
    %reduce_sum3A_56 = vector.extract %reduce_sum3A_55[0, 0, 0] : f32 from vector<1x1x1xf32>
    %add3A_57 = arith.addf %reduce_sum3A_48, %reduce_sum3A_56 : f32
    %div3A_58 = arith.constant 0x4A100000 : f32
    %div3A_59 = arith.divf %add3A_57, %div3A_58 : f32
    %mul3A_60 = arith.constant 2.500000e-01 : f32
    %mul3A_61 = arith.mulf %mul3A_60, %div3A_59 : f32
    %add3A_62 = arith.addf %mul3A_61, %div3A_59 : f32
    %iota3A = tpu.iota {dimensions = array<i32: 0>} : vector<8x128xi32>
    %iota3A_63 = tpu.iota {dimensions = array<i32: 1>} : vector<8x128xi32>
    %eq3A = arith.constant 0 : i32
    %eq3A_64 = vector.broadcast %eq3A : i32 to vector<8x128xi32>
    %eq3A_65 = arith.cmpi eq, %iota3A, %eq3A_64 : vector<8x128xi32>
    %eq3A_66 = arith.constant 0 : i32
    %eq3A_67 = vector.broadcast %eq3A_66 : i32 to vector<8x128xi32>
    %eq3A_68 = arith.cmpi eq, %iota3A_63, %eq3A_67 : vector<8x128xi32>
    %and3A = arith.andi %eq3A_65, %eq3A_68 : vector<8x128xi1>
    %eq3A_69 = arith.constant 1 : i32
    %eq3A_70 = vector.broadcast %eq3A_69 : i32 to vector<8x128xi32>
    %eq3A_71 = arith.cmpi eq, %iota3A_63, %eq3A_70 : vector<8x128xi32>
    %and3A_72 = arith.andi %eq3A_65, %eq3A_71 : vector<8x128xi1>
    %eq3A_73 = arith.constant 2 : i32
    %eq3A_74 = vector.broadcast %eq3A_73 : i32 to vector<8x128xi32>
    %eq3A_75 = arith.cmpi eq, %iota3A_63, %eq3A_74 : vector<8x128xi32>
    %and3A_76 = arith.andi %eq3A_65, %eq3A_75 : vector<8x128xi1>
    %jit3A = arith.constant 0.000000e+00 : f32
    %broadcast_in_dim3A_77 = vector.broadcast %neg3A_40 : f32 to vector<8x128xf32>
    %broadcast_in_dim3A_78 = vector.broadcast %jit3A : f32 to vector<8x128xf32>
    %select_n3A = arith.select %and3A_76, %broadcast_in_dim3A_77, %broadcast_in_dim3A_78 : vector<8x128xi1>, vector<8x128xf32>
    %broadcast_in_dim3A_79 = vector.broadcast %exp3A : f32 to vector<8x128xf32>
    %select_n3A_80 = arith.select %and3A_72, %broadcast_in_dim3A_79, %select_n3A : vector<8x128xi1>, vector<8x128xf32>
    %broadcast_in_dim3A_81 = vector.broadcast %add3A_62 : f32 to vector<8x128xf32>
    %select_n3A_82 = arith.select %and3A, %broadcast_in_dim3A_81, %select_n3A_80 : vector<8x128xi1>, vector<8x128xf32>
    %swap3A = arith.constant 0 : index
    %swap3A_83 = arith.constant 0 : index
    %swap3A_84 = vector.load %arg5[%swap3A, %swap3A_83] : memref<8x128xf32, #tpu.memory_space<vmem>>, vector<8x128xf32>
    tpu.vector_store %arg5[%swap3A, %swap3A_83], %select_n3A_82 {strides = array<i32>} : memref<8x128xf32, #tpu.memory_space<vmem>>, vector<8x128xf32>,
    return
  }
}

</mosaic_0001>

<sc_bundles>
// kernel: kernel.11.cloned.1.call-start
scs
__scs_entry_jumppad:
0x0: {  	(pc) =	sbr.rel $0x88, $3  }
0x1: {  	(tag) =	ssettag $0x0;
	lr =	simm.s32 $0x1  }
0x2: {  	[smem:$0x3F9C] =	sst lr;
	_ =	strace $0xD0000000  }
0x3: {  	_ = 	snop  }
0x4: {  	_ = 	snop  }
0x5: {  	_ = 	snop  }
0x6: {  	_ = 	snop  }
0x7: {  	_ = 	snop  }
__scs_overlays_trampoline_lowered:
0x8: {  	[smem:$0x3FAB] =	sst s0  }
0x9: {  	[smem:$0x3FAC] =	sst s1  }
0xa: {  	[smem:$0x3FAD] =	sst s2  }
0xb: {  	[smem:$0x3FAE] =	sst s3  }
0xc: {  	[smem:$0x3FAF] =	sst s4  }
0xd: {  	[smem:$0x3FB0] =	sst s5  }
0xe: {  	[smem:$0x3FB1] =	sst s6  }
0xf: {  	[smem:$0x3FB2] =	sst s7  }
0x10: {  	[smem:$0x3FB3] =	sst s8  }
0x11: {  	[smem:$0x3FB4] =	sst s9;
	s0 =	simm.s32 @!p0 $0x0  }
0x12: {  	s1 =	sld [smem:$0x3F9A];
	s0 =	simm.s32 @p0 $0x1  }
0x13: {  	[smem:$0x3FB5] =	sst s0;
	s0 =	simm.s32 @!p1 $0x0  }
0x14: {  	s2 =	sld [smem:$0x3F99];
	s0 =	simm.s32 @p1 $0x1  }
0x15: {  	[smem:$0x3FB6] =	sst s0;
	s0 =	simm.s32 @!p2 $0x0  }
0x16: {  	s3 =	sld [smem:$0x3FDB];
	s0 =	simm.s32 @p2 $0x1  }
0x17: {  	s4 =	simm.s32 $0x1BF5;
	[smem:$0x3FB8] =	sst s0  }
0x18: {  	s0 =	sld [smem:$0x3F9B];
	_ =	swait.ge [sflag:s4], $0x0  }
0x19: {  	s7 =	sld [smem:$0x3F9C]  }
0x1a: {  	s8 =	sadd.s32 $0xFFFFE003, lr  }
0x1b: {  	s9 =	sadd.s32 $0xFFFFFEF7, lr;
	s5 =	simm.s32 $0xFFFFFFFF;
	p2 =	slt.u32 s8, $0xFFFFF086  }
0x1c: {  	p1 =	slt.u32 s9, $0xF7A;
	s5 =	simm.s32 @!p2 $0x0  }
0x1d: {  	s5 =	simm.s32 @p1 $0x1;
	p0 =	seq.s32 s7, s2  }
0x1e: {  	s7 =	smul.u32 @!p0 $0xF7A, s2;
	p2 =	seq.s32 @!p0 s5, $0x0  }
0x1f: {  	s9 =	smul.u32 $0xF7A, s1;
	s8 =	simm.s32 @!p0 $0x1BF5;
	p2 =	por !p2, p0  }
0x20: {  	[sflag:s8] =	ssyncset.s32 @!p0 $0xFFFFF086;
	s6 =	sadd.s32 @!p0 s3, s7;
	s7 =	simm.s32 @!p0 $0x108  }
0x21: {  	s3 =	sadd.s32 s3, s9;
	s6 =	sadd.s32 @!p0 $0x88, s6;
	s7 =	simm.s32 @p2 $0x1082  }
0x22: {  	[simem:s7], [sflag:s8] =	dma.local @!p0 [hbm:s6], $0xF7A  }
0x23: {  	s9 =	sor.u32 $0xD0000000, s2;
	s6 =	simm.s32 $0x108;
	_ =	swait.ge @!p0 [sflag:s8], $0x0  }
0x24: {  	s3 =	sadd.s32 $0x88, s3;
	s6 =	simm.s32 @!p1 $0x1082;
	[sflag:s4] =	ssyncset.s32 $0xFFFFF086  }
0x25: {  	[simem:s6], [sflag:s4] =	dma.local [hbm:s3], $0xF7A  }
0x26: {  	[smem:$0x3F9C] =	sst s1;
	(tag) =	ssettag s2;
	_ =	strace s9  }
0x27: {  	s1 =	sld [smem:$0x3FAC]  }
0x28: {  	s2 =	sld [smem:$0x3FAD]  }
0x29: {  	s4 =	sld [smem:$0x3FAF]  }
0x2a: {  	p0 =	seq.s32 s5, $0x0;
	s5 =	sld [smem:$0x3FB0]  }
0x2b: {  	s6 =	sld [smem:$0x3FB1]  }
0x2c: {  	s7 =	sld [smem:$0x3FB2]  }
0x2d: {  	s3 =	simm.s32 $0x108;
	s8 =	sld [smem:$0x3FB3]  }
0x2e: {  	s3 =	simm.s32 @!p0 $0x1082;
	s9 =	sld [smem:$0x3FB4]  }
0x2f: {  	lr =	sadd.s32 s0, s3;
	s0 =	sld [smem:$0x3FAB]  }
0x30: {  	s3 =	sld [smem:$0x3FAE]  }
0x31: {  	[smem:$0x3FB7] =	sst s10  }
0x32: {  	s10 =	sld [smem:$0x3FB5];
	_ =	sdelay $0x3  }
0x33: {  	p0 =	seq.s32 s10, $0x1;
	s10 =	sld [smem:$0x3FB7];
	_ =	sdelay $0x3  }
0x34: {  	[smem:$0x3FB7] =	sst s10  }
0x35: {  	s10 =	sld [smem:$0x3FB6];
	_ =	sdelay $0x3  }
0x36: {  	p1 =	seq.s32 s10, $0x1;
	s10 =	sld [smem:$0x3FB7];
	_ =	sdelay $0x3  }
0x37: {  	[smem:$0x3FB7] =	sst s10  }
0x38: {  	s10 =	sld [smem:$0x3FB8]  }
0x39: {  	_ = 	snop;
	(pc) =	sbr.ind lr, $3  }
0x3a: {  	_ = 	snop  }
0x3b: {  	_ = 	snop  }
0x3c: {  	p2 =	seq.s32 s10, $0x1;
	s10 =	sld [smem:$0x3FB7]  }
0x3d: {  	_ =	shalt  }
0x3e: {  	_ =	shalt  }
0x3f: {  	_ =	shalt  }
0x40: {  	_ =	shalt  }
0x41: {  	_ =	shalt  }
0x42: {  	_ =	shalt  }
0x43: {  	_ =	shalt  }
0x44: {  	_ =	shalt  }
0x45: {  	_ =	shalt  }
0x46: {  	_ =	shalt  }
0x47: {  	_ =	shalt  }
0x48: {  	_ =	shalt  }
0x49: {  	_ =	shalt  }
0x4a: {  	_ =	shalt  }
0x4b: {  	_ =	shalt  }
0x4c: {  	_ =	shalt  }
0x4d: {  	_ =	shalt  }
0x4e: {  	_ =	shalt  }
0x4f: {  	_ =	shalt  }
0x50: {  	_ =	shalt  }
0x51: {  	_ =	shalt  }
0x52: {  	_ =	shalt  }
0x53: {  	_ =	shalt  }
0x54: {  	_ =	shalt  }
0x55: {  	_ =	shalt  }
0x56: {  	_ =	shalt  }
0x57: {  	_ =	shalt  }
0x58: {  	_ =	shalt  }
0x59: {  	_ =	shalt  }
0x5a: {  	_ =	shalt  }
0x5b: {  	_ =	shalt  }
0x5c: {  	_ =	shalt  }
0x5d: {  	_ =	shalt  }
0x5e: {  	_ =	shalt  }
0x5f: {  	_ =	shalt  }
0x60: {  	_ =	shalt  }
0x61: {  	_ =	shalt  }
0x62: {  	_ =	shalt  }
0x63: {  	_ =	shalt  }
0x64: {  	_ =	shalt  }
0x65: {  	_ =	shalt  }
0x66: {  	_ =	shalt  }
0x67: {  	_ =	shalt  }
0x68: {  	_ =	shalt  }
0x69: {  	_ =	shalt  }
0x6a: {  	_ =	shalt  }
0x6b: {  	_ =	shalt  }
0x6c: {  	_ =	shalt  }
0x6d: {  	_ =	shalt  }
0x6e: {  	_ =	shalt  }
0x6f: {  	_ =	shalt  }
0x70: {  	_ =	shalt  }
0x71: {  	_ =	shalt  }
0x72: {  	_ =	shalt  }
0x73: {  	_ =	shalt  }
0x74: {  	_ =	shalt  }
0x75: {  	_ =	shalt  }
0x76: {  	_ =	shalt  }
0x77: {  	_ =	shalt  }
0x78: {  	_ =	shalt  }
0x79: {  	_ =	shalt  }
0x7a: {  	_ =	shalt  }
0x7b: {  	_ =	shalt  }
0x7c: {  	_ =	shalt  }
0x7d: {  	_ =	shalt  }
0x7e: {  	_ =	shalt  }
0x7f: {  	_ =	shalt  }
0x80: {  	_ =	shalt  }
0x81: {  	_ =	shalt  }
0x82: {  	_ =	shalt  }
0x83: {  	_ =	shalt  }
0x84: {  	_ =	shalt  }
0x85: {  	_ =	shalt  }
0x86: {  	_ =	shalt  }
0x87: {  	_ =	shalt  }
.Lfunc_end0:
.L_simem_size_0:
called_computation.1_lowered:
.L_overlay_start_0:
0x88: {  	s2 =	sld [smem:$0x3FD9]  }
0x89: {  	s3 =	sld [smem:$0x3FFE];
	_ =	sdelay $0x1  }
0x8a: {  	s1 =	srdreg.scid  }
0x8b: {  	s0 =	sand.u32 $0x1, s1  }
0x8c: {  	s14 =	sshll.u32 s0, $0xA;
	s2 =	sadd.s32 s3, s2  }
0x8d: {  	s2 =	sadd.s32 s2, s14  }
0x8e: {  	[smem:$0x3FC3] =	sst s2  }
0x8f: {  	_ = 	snop  }
0x90: {  	s2 =	sld [smem:$0x3FD0];
	_ =	sdelay $0x2  }
0x91: {  	s15 =	simm.s32 $0xB;
	s4 =	simm.s32 $0x10  }
0x92: {  	[smem:s4], [sflag:s15] =	dma.local [hbm:s2], $0x1  }
0x93: {  	_ =	swait.eq [sflag:s15], $0x1  }
0x94: {  	[sflag:s15] =	ssyncset.done $0x0  }
0x95: {  	s16 =	sld [smem:$0x10];
	[sflag:s15] =	ssyncadd.s32 $0xFFFFFFFF  }
0x96: {  	s17 =	sld [smem:$0x11];
	(tm) =	ssettm $0x1  }
0x97: {  	s18 =	sld [smem:$0x3FFB];
	_ =	sdelay $0x3  }
0x98: {  	_ =	strace s18  }
0x99: {  	s4 =	sld [smem:$0x3FFC];
	_ =	sdelay $0x3  }
0x9a: {  	_ =	strace s4  }
0x9b: {  	s4 =	sld [smem:$0x3FFD];
	_ =	sdelay $0x3  }
0x9c: {  	_ =	strace s4  }
0x9d: {  	_ =	strace $0x8FFFFFFF  }
0x9e: {  	s19 =	sld [smem:$0x3FDB];
	_ =	sdelay $0x1  }
0x9f: {  	s5 =	simm.s32 $_scs_section_size  }
0xa0: {  	s6 =	simm.s32 $_size__tile_overlayer_lowered;
	s7 =	simm.s32 $_tile_overlayer_lowered  }
0xa1: {  	s22 =	simm.s32 $0x1BFF;
	s21 =	sshll.u32 s7, $0x1;
	s4 =	sadd.s32 s5, s19  }
0xa2: {  	s8 =	simm.s32 $0x0;
	s20 =	sshll.u32 s6, $0x1;
	s6 =	sadd.s32 s21, s4  }
0xa3: {  	[timem:s8], [sflag:s22] =	dma.local [hbm:s6], s20  }
0xa4: {  	_ =	swait.ge [sflag:s22], s20  }
0xa5: {  	s5 =	ssub.s32 $0x0, s20;
	[sflag:s22] =	ssyncset.done $0x0  }
0xa6: {  	[sflag:s22] =	ssyncadd.s32 s5;
	_ =	sdelay $0x1  }
0xa7: {  	s23 =	simm.s32 $0x1B8B  }
0xa8: {  	_ =	swait.ge [sflag:s23], $0x1  }
0xa9: {  	[sflag:s23] =	ssyncset.done $0x0  }
0xaa: {  	s25 =	simm.s32 $0x1B8E;
	s24 =	sld [smem:$0x3FFE];
	[sflag:s23] =	ssyncadd.s32 $0xFFFFFFFF  }
0xab: {  	s26 =	simm.s32 $execute0_lowered;
	[smem:$0x3FD2] =	sst s25  }
0xac: {  	s6 =	sshll.u32 s26, $0x1;
	_ =	strace $0x80000046;
	[dreg:$0x1] =	wrdreg $0xFFFFFFFF  }
0xad: {  	s28 =	simm.s32 $_size_execute0_lowered;
	s4 =	sadd.s32 s4, s6;
	[dreg:$0x0] =	wrdreg $0x0  }
0xae: {  	s6 =	sshll.u32 s28, $0x1;
	[dreg:$0x2] =	wrdreg s4  }
0xaf: {  	[dreg:$0x3] =	wrdreg s6  }
0xb0: {  	[dreg:$0x4] =	wrdreg $0xC0  }
0xb1: {  	_ =	task [dreg:s8], $0x5FFFF  }
0xb2: {  	[dreg:$0x1] =	wrdreg $0xFFFFFFFF  }
0xb3: {  	[dreg:$0x0] =	wrdreg $0x60  }
0xb4: {  	[dreg:$0x2] =	wrdreg s16  }
0xb5: {  	[dreg:$0x3] =	wrdreg s24  }
0xb6: {  	[dreg:$0x4] =	wrdreg s17  }
0xb7: {  	[dreg:$0x5] =	wrdreg $0xB2800  }
0xb8: {  	[dreg:$0x6] =	wrdreg $0xA  }
0xb9: {  	_ =	task.clear_ibuf [dreg:s8], $0x7FFFF;
	_ =	strace $0x90000046  }
0xba: {  	s29 =	simm.s32 $0xA;
	_ =	strace $0x80000048  }
0xbb: {  	_ =	swait.ge [sflag:s29], $0x1  }
0xbc: {  	[sflag:s29] =	ssyncadd.s32 $0xFFFFFFFF  }
0xbd: {  	_ =	strace $0x90000048  }
0xbe: {  	_ =	sfence  }
0xbf: {  	s30 =	sld [smem:$0x0];
	_ =	sdelay $0x2  }
0xc0: {  	s31 =	sshll.u32 s1, $0xD;
	s1 =	sshrl.u32 s1, $0x2  }
0xc1: {  	s3 =	sand.u32 $0x4000, s31;
	s1 =	sadd.s32 s1, s30  }
0xc2: {  	s0 =	sor.u32 s3, s0;
	s1 =	sshll.u32 s1, $0x11  }
0xc3: {  	s0 =	sor.u32 s1, s0  }
0xc4: {  	s0 =	sadd.s32 $0x8F2B, s0  }
0xc5: {  	[sflag:s0] =	ssyncadd.remote.s32 $0x1  }
0xc6: {  	_ =	sfence.sel $0xFFFF  }
0xc7: {  	[dreg:$0x0] =	wrdreg $0xFFFFFFFF;
	(pc) =	sbr.abs _section_cstart, $3  }
0xc8: {  	[dreg:$0x1] =	wrdreg $0xFFFFFFFF  }
0xc9: {  	_ =	task.clear_ibuf [dreg:s8], $0x2FFFF;
	_ =	strace $0x9FFFFFFF  }
0xca: {  	(tm) =	ssettm $0x7FFFFFFF  }
0xcb: {  	_ =	shalt  }
tec
execute0_lowered:
.L_overlay_start_1:
0x0: {  	(tag) =	ssettag $0x1  }
0x1: {  	s0 =	rddreg [dreg:$0x0]  }
0x2: {  	s2 =	rddreg [dreg:$0x1]  }
0x3: {  	s1 =	rddreg [dreg:$0x2]  }
0x4: {  	s4 =	srdreg.scid;
	s17 =	stileid.u32  }
0x5: {  	s3 =	rddreg [dreg:$0x3];
	s25 =	simm.s32 $0x980;
	s10 =	simm.s32 $0x1980  }
0x6: {  	s11 =	simm.s32 $0x2180;
	s12 =	simm.s32 $0x2980;
	s13 =	simm.s32 $0x80  }
0x7: {  	s14 =	simm.s32 $0x3180;
	s15 =	simm.s32 $0x3980;
	s16 =	simm.s32 $0x4180  }
0x8: {  	s28 =	simm.s32 $0x9280;
	s29 =	simm.s32 $0x9180;
	s30 =	simm.s32 $0x30  }
0x9: {  	s31 =	simm.s32 $0x9200;
	[dreg:$0x5] =	wrdreg s1;
	s5 =	sand.u32 $0x1, s4  }
0xa: {  	s6 =	sshll.u32 s17, $0x1;
	s4 =	simm.s32 $0x0;
	s8 =	sadd.s32 $0x2800, s2  }
0xb: {  	s26 =	sshll.u32 s17, $0xD;
	s17 =	simm.s32 $0x4980;
	s6 =	sor.u32 s5, s6  }
0xc: {  	[smem:$0x7FF] =	sst s4;
	s5 =	ssub.s32 $0x2, s5;
	s7 =	smul.u32 $0x90, s6  }
0xd: {  	_ =	strace $0x80000047;
	s9 =	smul.u32 $0x1200, s6;
	[dreg:$0x6] =	wrdreg s8  }
0xe: {  	s6 =	sshll.u32 s6, $0xA;
	s21 =	sshrl.u32 s5, $0x1;
	s8 =	simm.s32 $0x180  }
0xf: {  	[dreg:$0xc] =	wrdreg s25;
	s25 =	simm.s32 $0x8180;
	s23 =	ssub.s32 s5, s21  }
0x10: {  	v0 =	vmov s26;
	s5 =	sadd.s32 s26, s3;
	s21 =	simm.s32 $0x6180;
	s26 =	simm.s32 $0x8980  }
0x11: {  	s7 =	sshrl.u32 s7, $0x3;
	s18 =	sadd.s32 s9, s2;
	s9 =	simm.s32 $0x1180  }
0x12: {  	s7 =	sadd.s32 s7, s2;
	s2 =	sadd.s32 s6, s2;
	s24 =	sadd.s32 $0xAC00, s18  }
0x13: {  	s6 =	smax.u32 s23, $0x1;
	s19 =	sadd.s32 $0x2400, s7;
	[dreg:$0xb] =	wrdreg s24  }
0x14: {  	s18 =	simm.s32 $0x5180;
	s20 =	sadd.s32 $0x2406, s7;
	[dreg:$0x7] =	wrdreg s19  }
0x15: {  	s23 =	simm.s32 $0x7180;
	s22 =	sadd.s32 $0x240C, s7;
	[dreg:$0x8] =	wrdreg s20  }
0x16: {  	v3 =	vlaneseq.u32;
	s2 =	sadd.s32 $0x2C00, s2;
	s7 =	simm.s32 $0x2;
	[dreg:$0x9] =	wrdreg s22  }
0x17: {  	vm0 =	vmmov $0xffff;
	v2 =	vshrl.u32 v3, $0x3;
	s24 =	simm.s32 $0x7980;
	[dreg:$0xa] =	wrdreg s2;
	s19 =	simm.s32 $0x5980  }
0x18: {  	v1 =	vand.u32 $0x7, v3;
	v3 =	vor.u32 $0x8, v3;
	v2 =	vmul.u32 $0x8, v2;
	s20 =	simm.s32 $0x100;
	s22 =	simm.s32 $0x6980;
	s2 =	simm.s32 $0x1  }
.LBB2_1:
0x19: {  	s1 =	rddreg [dreg:$0x7]  }
0x1a: {  	[tilespmem:s4], [sflag:$0x2] =	stream.linear.gather [hbm4b:s1+s4], $0x30, $0x38;
	[tilespmem:$0xD280] =	vst v63  }
0x1b: {  	_ =	swait.ge [sflag:s7], $0x30  }
0x1c: {  	[sflag:s7] =	ssyncset.done $0x0  }
0x1d: {  	[sflag:s7] =	ssyncadd.s32 $0xFFFFFFD0  }
0x1e: {  	v4 =	vld [tilespmem:$0x0];
	_ =	sdelay $0x4  }
0x1f: {  	v5 =	vshll.u32 v4, $0x1  }
0x20: {  	v4 =	vand.u32 $0x7, v4;
	v5 =	vand.u32 $0xFFFFFFF0, v5  }
0x21: {  	v4 =	vor.u32 v4, v5  }
0x22: {  	v5 =	vperm.xlane v4, v1;
	_ =	sdelay $0x1  }
0x23: {  	v4 =	vperm.xlane v4, v3;
	v5 =	vadd.s32 v2, v5;
	_ =	sdelay $0x1  }
0x24: {  	v4 =	vadd.s32 v2, v4;
	_ =	sdelay $0x2  }
0x25: {  	[tilespmem:s8], [sflag:$0x1] =	stream.indirect_vreg.gather [hbm4b:s0+s4], $0x80, v5, vm0, $0xb8;
	[tilespmem:$0xD280] =	vst v63  }
0x26: {  	s1 =	rddreg [dreg:$0xc]  }
0x27: {  	[tilespmem:s1], [sflag:$0x1] =	stream.indirect_vreg.gather [hbm4b:s0+s4], $0x80, v4, vm0, $0xb8;
	[tilespmem:$0xD280] =	vst v63  }
0x28: {  	v4 =	vld [tilespmem:$0x10];
	_ =	sdelay $0x4  }
0x29: {  	v5 =	vshll.u32 v4, $0x1  }
0x2a: {  	v4 =	vand.u32 $0x7, v4;
	v5 =	vand.u32 $0xFFFFFFF0, v5  }
0x2b: {  	v4 =	vor.u32 v4, v5  }
0x2c: {  	v5 =	vperm.xlane v4, v1;
	_ =	sdelay $0x1  }
0x2d: {  	v4 =	vperm.xlane v4, v3;
	v5 =	vadd.s32 v2, v5;
	_ =	sdelay $0x1  }
0x2e: {  	v4 =	vadd.s32 v2, v4;
	_ =	sdelay $0x2  }
0x2f: {  	[tilespmem:s9], [sflag:$0x1] =	stream.indirect_vreg.gather [hbm4b:s0+s4], $0x80, v5, vm0, $0xb8;
	[tilespmem:$0xD280] =	vst v63  }
0x30: {  	_ = 	snop  }
0x31: {  	[tilespmem:s10], [sflag:$0x1] =	stream.indirect_vreg.gather [hbm4b:s0+s4], $0x80, v4, vm0, $0xb8;
	[tilespmem:$0xD280] =	vst v63  }
0x32: {  	v4 =	vld [tilespmem:$0x20];
	_ =	sdelay $0x4  }
0x33: {  	v5 =	vshll.u32 v4, $0x1  }
0x34: {  	v4 =	vand.u32 $0x7, v4;
	v5 =	vand.u32 $0xFFFFFFF0, v5  }
0x35: {  	v4 =	vor.u32 v4, v5  }
0x36: {  	v5 =	vperm.xlane v4, v1;
	_ =	sdelay $0x1  }
0x37: {  	v4 =	vperm.xlane v4, v3;
	v5 =	vadd.s32 v2, v5;
	_ =	sdelay $0x1  }
0x38: {  	v4 =	vadd.s32 v2, v4;
	_ =	sdelay $0x2  }
0x39: {  	[tilespmem:s11], [sflag:$0x1] =	stream.indirect_vreg.gather [hbm4b:s0+s4], $0x80, v5, vm0, $0xb8;
	[tilespmem:$0xD280] =	vst v63  }
0x3a: {  	_ = 	snop  }
0x3b: {  	[tilespmem:s12], [sflag:$0x1] =	stream.indirect_vreg.gather [hbm4b:s0+s4], $0x80, v4, vm0, $0xb8;
	[tilespmem:$0xD280] =	vst v63  }
0x3c: {  	s1 =	rddreg [dreg:$0x8]  }
0x3d: {  	[tilespmem:s13], [sflag:$0x2] =	stream.linear.gather [hbm4b:s1+s4], $0x30, $0x38;
	[tilespmem:$0xD280] =	vst v63  }
0x3e: {  	_ =	swait.ge [sflag:s7], $0x30  }
0x3f: {  	[sflag:s7] =	ssyncset.done $0x0  }
0x40: {  	[sflag:s7] =	ssyncadd.s32 $0xFFFFFFD0  }
0x41: {  	v4 =	vld [tilespmem:$0x80];
	_ =	sdelay $0x4  }
0x42: {  	v5 =	vshll.u32 v4, $0x1  }
0x43: {  	v4 =	vand.u32 $0x7, v4;
	v5 =	vand.u32 $0xFFFFFFF0, v5  }
0x44: {  	v4 =	vor.u32 v4, v5  }
0x45: {  	v5 =	vperm.xlane v4, v1;
	_ =	sdelay $0x1  }
0x46: {  	v4 =	vperm.xlane v4, v3;
	v5 =	vadd.s32 v2, v5;
	_ =	sdelay $0x1  }
0x47: {  	v4 =	vadd.s32 v2, v4;
	_ =	sdelay $0x2  }
0x48: {  	[tilespmem:s14], [sflag:$0x1] =	stream.indirect_vreg.gather [hbm4b:s0+s4], $0x80, v5, vm0, $0xb8;
	[tilespmem:$0xD280] =	vst v63  }
0x49: {  	_ = 	snop  }
0x4a: {  	[tilespmem:s15], [sflag:$0x1] =	stream.indirect_vreg.gather [hbm4b:s0+s4], $0x80, v4, vm0, $0xb8;
	[tilespmem:$0xD280] =	vst v63  }
0x4b: {  	v4 =	vld [tilespmem:$0x90];
	_ =	sdelay $0x4  }
0x4c: {  	v5 =	vshll.u32 v4, $0x1  }
0x4d: {  	v4 =	vand.u32 $0x7, v4;
	v5 =	vand.u32 $0xFFFFFFF0, v5  }
0x4e: {  	v4 =	vor.u32 v4, v5  }
0x4f: {  	v5 =	vperm.xlane v4, v1;
	_ =	sdelay $0x1  }
0x50: {  	v4 =	vperm.xlane v4, v3;
	v5 =	vadd.s32 v2, v5;
	_ =	sdelay $0x1  }
0x51: {  	v4 =	vadd.s32 v2, v4;
	_ =	sdelay $0x2  }
0x52: {  	[tilespmem:s16], [sflag:$0x1] =	stream.indirect_vreg.gather [hbm4b:s0+s4], $0x80, v5, vm0, $0xb8;
	[tilespmem:$0xD280] =	vst v63  }
0x53: {  	_ = 	snop  }
0x54: {  	[tilespmem:s17], [sflag:$0x1] =	stream.indirect_vreg.gather [hbm4b:s0+s4], $0x80, v4, vm0, $0xb8;
	[tilespmem:$0xD280] =	vst v63  }
0x55: {  	v4 =	vld [tilespmem:$0xA0];
	_ =	sdelay $0x4  }
0x56: {  	v5 =	vshll.u32 v4, $0x1  }
0x57: {  	v4 =	vand.u32 $0x7, v4;
	v5 =	vand.u32 $0xFFFFFFF0, v5  }
0x58: {  	v4 =	vor.u32 v4, v5  }
0x59: {  	v5 =	vperm.xlane v4, v1;
	_ =	sdelay $0x1  }
0x5a: {  	v4 =	vperm.xlane v4, v3;
	v5 =	vadd.s32 v2, v5;
	_ =	sdelay $0x1  }
0x5b: {  	v4 =	vadd.s32 v2, v4;
	_ =	sdelay $0x2  }
0x5c: {  	[tilespmem:s18], [sflag:$0x1] =	stream.indirect_vreg.gather [hbm4b:s0+s4], $0x80, v5, vm0, $0xb8;
	[tilespmem:$0xD280] =	vst v63  }
0x5d: {  	_ = 	snop  }
0x5e: {  	[tilespmem:s19], [sflag:$0x1] =	stream.indirect_vreg.gather [hbm4b:s0+s4], $0x80, v4, vm0, $0xb8;
	[tilespmem:$0xD280] =	vst v63  }
0x5f: {  	s1 =	rddreg [dreg:$0x9]  }
0x60: {  	[tilespmem:s20], [sflag:$0x2] =	stream.linear.gather [hbm4b:s1+s4], $0x30, $0x38;
	[tilespmem:$0xD280] =	vst v63  }
0x61: {  	_ =	swait.ge [sflag:s7], $0x30  }
0x62: {  	[sflag:s7] =	ssyncset.done $0x0  }
0x63: {  	[sflag:s7] =	ssyncadd.s32 $0xFFFFFFD0  }
0x64: {  	v4 =	vld [tilespmem:$0x100];
	_ =	sdelay $0x4  }
0x65: {  	v5 =	vshll.u32 v4, $0x1  }
0x66: {  	v4 =	vand.u32 $0x7, v4;
	v5 =	vand.u32 $0xFFFFFFF0, v5  }
0x67: {  	v4 =	vor.u32 v4, v5  }
0x68: {  	v5 =	vperm.xlane v4, v1;
	_ =	sdelay $0x1  }
0x69: {  	v4 =	vperm.xlane v4, v3;
	v5 =	vadd.s32 v2, v5;
	_ =	sdelay $0x1  }
0x6a: {  	v4 =	vadd.s32 v2, v4;
	_ =	sdelay $0x2  }
0x6b: {  	[tilespmem:s21], [sflag:$0x1] =	stream.indirect_vreg.gather [hbm4b:s0+s4], $0x80, v5, vm0, $0xb8;
	[tilespmem:$0xD280] =	vst v63  }
0x6c: {  	_ = 	snop  }
0x6d: {  	[tilespmem:s22], [sflag:$0x1] =	stream.indirect_vreg.gather [hbm4b:s0+s4], $0x80, v4, vm0, $0xb8;
	[tilespmem:$0xD280] =	vst v63  }
0x6e: {  	v4 =	vld [tilespmem:$0x110];
	_ =	sdelay $0x4  }
0x6f: {  	v5 =	vshll.u32 v4, $0x1  }
0x70: {  	v4 =	vand.u32 $0x7, v4;
	v5 =	vand.u32 $0xFFFFFFF0, v5  }
0x71: {  	v4 =	vor.u32 v4, v5  }
0x72: {  	v5 =	vperm.xlane v4, v1;
	_ =	sdelay $0x1  }
0x73: {  	v4 =	vperm.xlane v4, v3;
	v5 =	vadd.s32 v2, v5;
	_ =	sdelay $0x1  }
0x74: {  	v4 =	vadd.s32 v2, v4;
	_ =	sdelay $0x2  }
0x75: {  	[tilespmem:s23], [sflag:$0x1] =	stream.indirect_vreg.gather [hbm4b:s0+s4], $0x80, v5, vm0, $0xb8;
	[tilespmem:$0xD280] =	vst v63  }
0x76: {  	_ = 	snop  }
0x77: {  	[tilespmem:s24], [sflag:$0x1] =	stream.indirect_vreg.gather [hbm4b:s0+s4], $0x80, v4, vm0, $0xb8;
	[tilespmem:$0xD280] =	vst v63  }
0x78: {  	v4 =	vld [tilespmem:$0x120];
	_ =	sdelay $0x4  }
0x79: {  	v5 =	vshll.u32 v4, $0x1  }
0x7a: {  	v4 =	vand.u32 $0x7, v4;
	v5 =	vand.u32 $0xFFFFFFF0, v5  }
0x7b: {  	v4 =	vor.u32 v4, v5  }
0x7c: {  	v5 =	vperm.xlane v4, v1;
	_ =	sdelay $0x1  }
0x7d: {  	v4 =	vperm.xlane v4, v3;
	v5 =	vadd.s32 v2, v5;
	_ =	sdelay $0x1  }
0x7e: {  	v4 =	vadd.s32 v2, v4;
	_ =	sdelay $0x2  }
0x7f: {  	[tilespmem:s25], [sflag:$0x1] =	stream.indirect_vreg.gather [hbm4b:s0+s4], $0x80, v5, vm0, $0xb8;
	[tilespmem:$0xD280] =	vst v63  }
0x80: {  	_ = 	snop  }
0x81: {  	[tilespmem:s26], [sflag:$0x1] =	stream.indirect_vreg.gather [hbm4b:s0+s4], $0x80, v4, vm0, $0xb8;
	[tilespmem:$0xD280] =	vst v63  }
0x82: {  	s1 =	rddreg [dreg:$0x6]  }
0x83: {  	[tilespmem:s28], [sflag:$0x2] =	stream.linear.gather [hbm4b:s1+s4], $0x2000, $0x38;
	[tilespmem:$0xD280] =	vst v63  }
0x84: {  	_ =	swait.ge [sflag:s7], $0x2000  }
0x85: {  	[sflag:s7] =	ssyncset.done $0x0  }
0x86: {  	[sflag:s7] =	ssyncadd.s32 $0xFFFFE000  }
0x87: {  	[spmem:s5] =	stream.linear.scatter [tilespmem:s28], [sflag:$0x2], $0x2000, $0x38;
	[tilespmem:$0xD280] =	vst v63  }
0x88: {  	_ =	swait.ge [sflag:s7], $0x2000  }
0x89: {  	[sflag:s7] =	ssyncset.done $0x0  }
0x8a: {  	s1 =	rddreg [dreg:$0x5];
	[sflag:s7] =	ssyncadd.s32 $0xFFFFE000  }
0x8b: {  	[tilespmem:s29], [sflag:$0x2] =	stream.linear.gather [hbm4b:s1+s4], $0x80, $0x38;
	[tilespmem:$0xD280] =	vst v63  }
0x8c: {  	_ =	swait.ge [sflag:s7], $0x80  }
0x8d: {  	[sflag:s7] =	ssyncset.done $0x0  }
0x8e: {  	[sflag:s7] =	ssyncadd.s32 $0xFFFFFF80  }
0x8f: {  	v4 =	vld [tilespmem:$0x0]  }
0x90: {  	v5 =	vld [tilespmem:$0x10]  }
0x91: {  	v6 =	vld [tilespmem:$0x20];
	_ =	sdelay $0x2  }
0x92: {  	v4 =	vadd.s32 v0, v4  }
0x93: {  	[tilespmem:$0x9200] =	vst v4;
	v4 =	vadd.s32 v0, v5  }
0x94: {  	[tilespmem:$0x9210] =	vst v4;
	v4 =	vadd.s32 v0, v6  }
0x95: {  	[tilespmem:$0x9220] =	vst v4  }
0x96: {  	[spmem:s3] =	stream.indirect.scatter.add.f32 [tilespmem:s29], [sflag:$0x2], $0x1, s31, s30, $0xb8;
	[tilespmem:$0xD280] =	vst v63  }
0x97: {  	_ =	swait.ge [sflag:s7], $0x30  }
0x98: {  	[sflag:s7] =	ssyncset.done $0x0  }
0x99: {  	[sflag:s7] =	ssyncadd.s32 $0xFFFFFFD0  }
0x9a: {  	v4 =	vld [tilespmem:$0x80]  }
0x9b: {  	v5 =	vld [tilespmem:$0x90]  }
0x9c: {  	v62 =	vld [tilespmem:$0xA0];
	_ =	sdelay $0x2  }
0x9d: {  	v4 =	vadd.s32 v0, v4  }
0x9e: {  	[tilespmem:$0x9200] =	vst v4;
	v4 =	vadd.s32 v0, v5  }
0x9f: {  	[tilespmem:$0x9210] =	vst v4;
	v4 =	vadd.s32 v0, v62  }
0xa0: {  	[tilespmem:$0x9220] =	vst v4  }
0xa1: {  	[spmem:s3] =	stream.indirect.scatter.add.f32 [tilespmem:s29], [sflag:$0x2], $0x1, s31, s30, $0xb8;
	[tilespmem:$0xD280] =	vst v63  }
0xa2: {  	_ =	swait.ge [sflag:s7], $0x30  }
0xa3: {  	[sflag:s7] =	ssyncset.done $0x0  }
0xa4: {  	[sflag:s7] =	ssyncadd.s32 $0xFFFFFFD0  }
0xa5: {  	v4 =	vld [tilespmem:$0x100]  }
0xa6: {  	v5 =	vld [tilespmem:$0x110]  }
0xa7: {  	v63 =	vld [tilespmem:$0x120];
	_ =	sdelay $0x2  }
0xa8: {  	v4 =	vadd.s32 v0, v4  }
0xa9: {  	[tilespmem:$0x9200] =	vst v4;
	v4 =	vadd.s32 v0, v5  }
0xaa: {  	[tilespmem:$0x9210] =	vst v4;
	v4 =	vadd.s32 v0, v63  }
0xab: {  	[tilespmem:$0x9220] =	vst v4  }
0xac: {  	[spmem:s3] =	stream.indirect.scatter.add.f32 [tilespmem:s29], [sflag:$0x2], $0x1, s31, s30, $0xb8;
	[tilespmem:$0xD280] =	vst v63  }
0xad: {  	_ =	swait.ge [sflag:s7], $0x30  }
0xae: {  	[sflag:s7] =	ssyncset.done $0x0  }
0xaf: {  	[sflag:s7] =	ssyncadd.s32 $0xFFFFFFD0  }
0xb0: {  	[tilespmem:s28], [sflag:$0x2] =	stream.linear.gather [spmem:s5], $0x2000, $0x38;
	[tilespmem:$0xD280] =	vst v63  }
0xb1: {  	_ =	swait.ge [sflag:s7], $0x2000  }
0xb2: {  	[sflag:s7] =	ssyncset.done $0x0  }
0xb3: {  	s1 =	rddreg [dreg:$0xa];
	[sflag:s7] =	ssyncadd.s32 $0xFFFFE000  }
0xb4: {  	[hbm4b:s1+s4] =	stream.linear.scatter [tilespmem:s28], [sflag:$0x2], $0x2000, $0x38;
	[tilespmem:$0xD280] =	vst v63  }
0xb5: {  	_ =	swait.ge [sflag:s7], $0x2000  }
0xb6: {  	[sflag:s7] =	ssyncset.done $0x0  }
0xb7: {  	[sflag:s7] =	ssyncadd.s32 $0xFFFFE000  }
0xb8: {  	_ =	swait.ge [sflag:s2], $0x3000  }
0xb9: {  	[sflag:s2] =	ssyncset.done $0x0  }
0xba: {  	[sflag:s2] =	ssyncadd.s32 $0xFFFFD000  }
0xbb: {  	_ =	swait.ge [sflag:s2], $0x3000  }
0xbc: {  	[sflag:s2] =	ssyncset.done $0x0  }
0xbd: {  	[sflag:s2] =	ssyncadd.s32 $0xFFFFD000  }
0xbe: {  	_ =	swait.ge [sflag:s2], $0x3000  }
0xbf: {  	p0 =	sne.s32 s6, $0x1;
	[sflag:s2] =	ssyncset.done $0x0  }
.Ltmp0:
0xc0: {  	s1 =	rddreg [dreg:$0xb];
	[sflag:s2] =	ssyncadd.s32 $0xFFFFD000;
	(pc) =	sbr.rel @p0 .LBB2_1-.Ltmp0, $4  }
0xc1: {  	[hbm4b:s1+s4] =	stream.linear.scatter [tilespmem:s8], [sflag:$0x2], $0x9000, $0x38;
	[tilespmem:$0xD280] =	vst v63  }
0xc2: {  	_ =	swait.ge [sflag:s7], $0x9000  }
0xc3: {  	[sflag:s7] =	ssyncset.done $0x0  }
0xc4: {  	s6 =	sadd.s32 $0xFFFFFFFF, s6;
	[sflag:s7] =	ssyncadd.s32 $0xFFFF7000  }
0xc5: {  	_ =	sfence.sel $0x180000  }
0xc6: {  	[bflag:$0x0] =	sbarrier.arrive $0xFFFF  }
0xc7: {  	_ =	strace $0x90000047  }
0xc8: {  	s0 =	stileid.u32;
	[bflag:$0x2] =	sbarrier.arrive $0xFFFF  }
0xc9: {  	p0 =	sne.s32 s0, $0x0;
	s0 =	rddreg [dreg:$0x4]  }
0xca: {  	s0 =	sadd.s32 @!p0 $0x100000, s0  }
0xcb: {  	[sflag:s0] =	ssyncadd.tile.s32 @!p0 $0x1;
	_ =	shalt  }
.Lfunc_end2:
_tile_overlayer_lowered:
.L_overlay_start_2:
0xcc: {  	(tag) =	ssettag $0x2  }
0xcd: {  	s0 =	rddreg [dreg:$0x0];
	s2 =	stileid.u32  }
0xce: {  	s1 =	rddreg [dreg:$0x1];
	p0 =	sne.s32 s2, $0x0  }
0xcf: {  	s3 =	rddreg [dreg:$0x2];
	[bflag:$0x3] =	sbarrier.arrive $0xFFFF;
	s2 =	simm.s32 @!p0 $0x1C02  }
0xd0: {  	[timem:s3], [sflag:s2] =	dma.local @!p0 [hbm:s0], s1  }
0xd1: {  	s0 =	simm.s32 @!p0 $0x2  }
0xd2: {  	_ =	swait.ge @!p0 [sflag:s0], s1  }
0xd3: {  	s1 =	ssub.s32 @!p0 $0x0, s1;
	[sflag:s0] =	ssyncset.done @!p0 $0x0  }
0xd4: {  	[sflag:s0] =	ssyncadd.s32 @!p0 s1  }
0xd5: {  	[bflag:$0x3] =	sbarrier.arrive $0xFFFF  }
0xd6: {  	_ =	shalt  }

// kernel: kernel.8.cloned.1.call-start
scs
__scs_entry_jumppad:
0x0: {  	(pc) =	sbr.rel $0x88, $3  }
0x1: {  	(tag) =	ssettag $0x0;
	lr =	simm.s32 $0x1  }
0x2: {  	[smem:$0x3F9C] =	sst lr;
	_ =	strace $0xD0000000  }
0x3: {  	_ = 	snop  }
0x4: {  	_ = 	snop  }
0x5: {  	_ = 	snop  }
0x6: {  	_ = 	snop  }
0x7: {  	_ = 	snop  }
__scs_overlays_trampoline_lowered:
0x8: {  	[smem:$0x3FAB] =	sst s0  }
0x9: {  	[smem:$0x3FAC] =	sst s1  }
0xa: {  	[smem:$0x3FAD] =	sst s2  }
0xb: {  	[smem:$0x3FAE] =	sst s3  }
0xc: {  	[smem:$0x3FAF] =	sst s4  }
0xd: {  	[smem:$0x3FB0] =	sst s5  }
0xe: {  	[smem:$0x3FB1] =	sst s6  }
0xf: {  	[smem:$0x3FB2] =	sst s7  }
0x10: {  	[smem:$0x3FB3] =	sst s8  }
0x11: {  	[smem:$0x3FB4] =	sst s9;
	s0 =	simm.s32 @!p0 $0x0  }
0x12: {  	s1 =	sld [smem:$0x3F9A];
	s0 =	simm.s32 @p0 $0x1  }
0x13: {  	[smem:$0x3FB5] =	sst s0;
	s0 =	simm.s32 @!p1 $0x0  }
0x14: {  	s2 =	sld [smem:$0x3F99];
	s0 =	simm.s32 @p1 $0x1  }
0x15: {  	[smem:$0x3FB6] =	sst s0;
	s0 =	simm.s32 @!p2 $0x0  }
0x16: {  	s3 =	sld [smem:$0x3FDB];
	s0 =	simm.s32 @p2 $0x1  }
0x17: {  	s4 =	simm.s32 $0x1BF5;
	[smem:$0x3FB8] =	sst s0  }
0x18: {  	s0 =	sld [smem:$0x3F9B];
	_ =	swait.ge [sflag:s4], $0x0  }
0x19: {  	s7 =	sld [smem:$0x3F9C]  }
0x1a: {  	s8 =	sadd.s32 $0xFFFFE003, lr  }
0x1b: {  	s9 =	sadd.s32 $0xFFFFFEF7, lr;
	s5 =	simm.s32 $0xFFFFFFFF;
	p2 =	slt.u32 s8, $0xFFFFF086  }
0x1c: {  	p1 =	slt.u32 s9, $0xF7A;
	s5 =	simm.s32 @!p2 $0x0  }
0x1d: {  	s5 =	simm.s32 @p1 $0x1;
	p0 =	seq.s32 s7, s2  }
0x1e: {  	s7 =	smul.u32 @!p0 $0xF7A, s2;
	p2 =	seq.s32 @!p0 s5, $0x0  }
0x1f: {  	s9 =	smul.u32 $0xF7A, s1;
	s8 =	simm.s32 @!p0 $0x1BF5;
	p2 =	por !p2, p0  }
0x20: {  	[sflag:s8] =	ssyncset.s32 @!p0 $0xFFFFF086;
	s6 =	sadd.s32 @!p0 s3, s7;
	s7 =	simm.s32 @!p0 $0x108  }
0x21: {  	s3 =	sadd.s32 s3, s9;
	s6 =	sadd.s32 @!p0 $0x88, s6;
	s7 =	simm.s32 @p2 $0x1082  }
0x22: {  	[simem:s7], [sflag:s8] =	dma.local @!p0 [hbm:s6], $0xF7A  }
0x23: {  	s9 =	sor.u32 $0xD0000000, s2;
	s6 =	simm.s32 $0x108;
	_ =	swait.ge @!p0 [sflag:s8], $0x0  }
0x24: {  	s3 =	sadd.s32 $0x88, s3;
	s6 =	simm.s32 @!p1 $0x1082;
	[sflag:s4] =	ssyncset.s32 $0xFFFFF086  }
0x25: {  	[simem:s6], [sflag:s4] =	dma.local [hbm:s3], $0xF7A  }
0x26: {  	[smem:$0x3F9C] =	sst s1;
	(tag) =	ssettag s2;
	_ =	strace s9  }
0x27: {  	s1 =	sld [smem:$0x3FAC]  }
0x28: {  	s2 =	sld [smem:$0x3FAD]  }
0x29: {  	s4 =	sld [smem:$0x3FAF]  }
0x2a: {  	p0 =	seq.s32 s5, $0x0;
	s5 =	sld [smem:$0x3FB0]  }
0x2b: {  	s6 =	sld [smem:$0x3FB1]  }
0x2c: {  	s7 =	sld [smem:$0x3FB2]  }
0x2d: {  	s3 =	simm.s32 $0x108;
	s8 =	sld [smem:$0x3FB3]  }
0x2e: {  	s3 =	simm.s32 @!p0 $0x1082;
	s9 =	sld [smem:$0x3FB4]  }
0x2f: {  	lr =	sadd.s32 s0, s3;
	s0 =	sld [smem:$0x3FAB]  }
0x30: {  	s3 =	sld [smem:$0x3FAE]  }
0x31: {  	[smem:$0x3FB7] =	sst s10  }
0x32: {  	s10 =	sld [smem:$0x3FB5];
	_ =	sdelay $0x3  }
0x33: {  	p0 =	seq.s32 s10, $0x1;
	s10 =	sld [smem:$0x3FB7];
	_ =	sdelay $0x3  }
0x34: {  	[smem:$0x3FB7] =	sst s10  }
0x35: {  	s10 =	sld [smem:$0x3FB6];
	_ =	sdelay $0x3  }
0x36: {  	p1 =	seq.s32 s10, $0x1;
	s10 =	sld [smem:$0x3FB7];
	_ =	sdelay $0x3  }
0x37: {  	[smem:$0x3FB7] =	sst s10  }
0x38: {  	s10 =	sld [smem:$0x3FB8]  }
0x39: {  	_ = 	snop;
	(pc) =	sbr.ind lr, $3  }
0x3a: {  	_ = 	snop  }
0x3b: {  	_ = 	snop  }
0x3c: {  	p2 =	seq.s32 s10, $0x1;
	s10 =	sld [smem:$0x3FB7]  }
0x3d: {  	_ =	shalt  }
0x3e: {  	_ =	shalt  }
0x3f: {  	_ =	shalt  }
0x40: {  	_ =	shalt  }
0x41: {  	_ =	shalt  }
0x42: {  	_ =	shalt  }
0x43: {  	_ =	shalt  }
0x44: {  	_ =	shalt  }
0x45: {  	_ =	shalt  }
0x46: {  	_ =	shalt  }
0x47: {  	_ =	shalt  }
0x48: {  	_ =	shalt  }
0x49: {  	_ =	shalt  }
0x4a: {  	_ =	shalt  }
0x4b: {  	_ =	shalt  }
0x4c: {  	_ =	shalt  }
0x4d: {  	_ =	shalt  }
0x4e: {  	_ =	shalt  }
0x4f: {  	_ =	shalt  }
0x50: {  	_ =	shalt  }
0x51: {  	_ =	shalt  }
0x52: {  	_ =	shalt  }
0x53: {  	_ =	shalt  }
0x54: {  	_ =	shalt  }
0x55: {  	_ =	shalt  }
0x56: {  	_ =	shalt  }
0x57: {  	_ =	shalt  }
0x58: {  	_ =	shalt  }
0x59: {  	_ =	shalt  }
0x5a: {  	_ =	shalt  }
0x5b: {  	_ =	shalt  }
0x5c: {  	_ =	shalt  }
0x5d: {  	_ =	shalt  }
0x5e: {  	_ =	shalt  }
0x5f: {  	_ =	shalt  }
0x60: {  	_ =	shalt  }
0x61: {  	_ =	shalt  }
0x62: {  	_ =	shalt  }
0x63: {  	_ =	shalt  }
0x64: {  	_ =	shalt  }
0x65: {  	_ =	shalt  }
0x66: {  	_ =	shalt  }
0x67: {  	_ =	shalt  }
0x68: {  	_ =	shalt  }
0x69: {  	_ =	shalt  }
0x6a: {  	_ =	shalt  }
0x6b: {  	_ =	shalt  }
0x6c: {  	_ =	shalt  }
0x6d: {  	_ =	shalt  }
0x6e: {  	_ =	shalt  }
0x6f: {  	_ =	shalt  }
0x70: {  	_ =	shalt  }
0x71: {  	_ =	shalt  }
0x72: {  	_ =	shalt  }
0x73: {  	_ =	shalt  }
0x74: {  	_ =	shalt  }
0x75: {  	_ =	shalt  }
0x76: {  	_ =	shalt  }
0x77: {  	_ =	shalt  }
0x78: {  	_ =	shalt  }
0x79: {  	_ =	shalt  }
0x7a: {  	_ =	shalt  }
0x7b: {  	_ =	shalt  }
0x7c: {  	_ =	shalt  }
0x7d: {  	_ =	shalt  }
0x7e: {  	_ =	shalt  }
0x7f: {  	_ =	shalt  }
0x80: {  	_ =	shalt  }
0x81: {  	_ =	shalt  }
0x82: {  	_ =	shalt  }
0x83: {  	_ =	shalt  }
0x84: {  	_ =	shalt  }
0x85: {  	_ =	shalt  }
0x86: {  	_ =	shalt  }
0x87: {  	_ =	shalt  }
.Lfunc_end0:
.L_simem_size_0:
called_computation_lowered:
.L_overlay_start_0:
0x88: {  	s2 =	sld [smem:$0x3FD9]  }
0x89: {  	s3 =	sld [smem:$0x3FFE];
	_ =	sdelay $0x1  }
0x8a: {  	s1 =	srdreg.scid  }
0x8b: {  	s0 =	sand.u32 $0x1, s1  }
0x8c: {  	s15 =	sshll.u32 s0, $0xA;
	s2 =	sadd.s32 s3, s2  }
0x8d: {  	s2 =	sadd.s32 s2, s15  }
0x8e: {  	[smem:$0x3FC3] =	sst s2  }
0x8f: {  	_ = 	snop  }
0x90: {  	s2 =	sld [smem:$0x3FD0];
	_ =	sdelay $0x2  }
0x91: {  	s4 =	simm.s32 $0xB;
	s16 =	simm.s32 $0x10  }
0x92: {  	[smem:s16], [sflag:s4] =	dma.local [hbm:s2], $0x1  }
0x93: {  	_ =	swait.eq [sflag:s4], $0x1  }
0x94: {  	[sflag:s4] =	ssyncset.done $0x0  }
0x95: {  	s17 =	sld [smem:$0x10];
	[sflag:s4] =	ssyncadd.s32 $0xFFFFFFFF  }
0x96: {  	s18 =	sld [smem:$0x11];
	(tm) =	ssettm $0x1  }
0x97: {  	s19 =	sld [smem:$0x3FFB];
	_ =	sdelay $0x3  }
0x98: {  	_ =	strace s19  }
0x99: {  	s2 =	sld [smem:$0x3FFC];
	_ =	sdelay $0x3  }
0x9a: {  	_ =	strace s2  }
0x9b: {  	s2 =	sld [smem:$0x3FFD];
	_ =	sdelay $0x3  }
0x9c: {  	_ =	strace s2  }
0x9d: {  	_ =	strace $0x8FFFFFFF  }
0x9e: {  	s20 =	sld [smem:$0x3FDB];
	_ =	sdelay $0x1  }
0x9f: {  	s5 =	simm.s32 $_scs_section_size  }
0xa0: {  	s6 =	simm.s32 $_size__tile_overlayer_lowered;
	s7 =	simm.s32 $_tile_overlayer_lowered  }
0xa1: {  	s8 =	simm.s32 $0x1BFF;
	s21 =	sshll.u32 s7, $0x1;
	s5 =	sadd.s32 s5, s20  }
0xa2: {  	s22 =	simm.s32 $0x0;
	s6 =	sshll.u32 s6, $0x1;
	s7 =	sadd.s32 s21, s5  }
0xa3: {  	[timem:s22], [sflag:s8] =	dma.local [hbm:s7], s6  }
0xa4: {  	_ =	swait.ge [sflag:s8], s6  }
0xa5: {  	s6 =	ssub.s32 $0x0, s6;
	[sflag:s8] =	ssyncset.done $0x0  }
0xa6: {  	[sflag:s8] =	ssyncadd.s32 s6;
	_ =	sdelay $0x1  }
0xa7: {  	s23 =	simm.s32 $0x1B8B  }
0xa8: {  	_ =	swait.ge [sflag:s23], $0x1  }
0xa9: {  	[sflag:s23] =	ssyncset.done $0x0  }
0xaa: {  	[sflag:s23] =	ssyncadd.s32 $0xFFFFFFFF  }
0xab: {  	s6 =	sld [smem:$0x0]  }
0xac: {  	s7 =	sand.u32 $0xFFFFFFFE, s1  }
0xad: {  	p0 =	sne.s32 s1, s7  }
0xae: {  	s7 =	sshll.u32 @p0 s7, $0xE  }
0xaf: {  	s7 =	sadd.s32 @p0 $0x11B8D, s7;
	s8 =	sshll.u32 @p0 s6, $0x11  }
0xb0: {  	s7 =	sor.u32 @p0 s8, s7  }
0xb1: {  	[sflag:s7] =	ssyncadd.remote.s32 @p0 $0x1;
	_ =	sdelay $0x1  }
0xb2: {  	s7 =	simm.s32 @p0 $0x1B8D  }
0xb3: {  	_ =	swait.eq @p0 [sflag:s7], $0x1  }
0xb4: {  	[sflag:s7] =	ssyncadd.s32 @p0 $0xFFFFFFFF  }
0xb5: {  	s8 =	sshll.u32 @!p0 s1, $0xE  }
0xb6: {  	s8 =	sor.u32 @!p0 $0x4000, s8;
	s7 =	simm.s32 @!p0 $0x1B8D  }
0xb7: {  	s6 =	sshll.u32 @!p0 s6, $0x11;
	s8 =	sadd.s32 @!p0 $0x11B8D, s8;
	_ =	swait.eq @!p0 [sflag:s7], $0x1  }
0xb8: {  	s6 =	sor.u32 @!p0 s6, s8;
	[sflag:s7] =	ssyncadd.s32 @!p0 $0xFFFFFFFF  }
0xb9: {  	s25 =	simm.s32 $0x1B8E;
	s24 =	sld [smem:$0x3FFE];
	[sflag:s6] =	ssyncadd.remote.s32 @!p0 $0x1  }
0xba: {  	s26 =	simm.s32 $execute0_lowered;
	[smem:$0x3FD2] =	sst s25  }
0xbb: {  	s7 =	sshll.u32 s26, $0x1;
	_ =	strace $0x80000049;
	[dreg:$0x1] =	wrdreg $0xFFFFFFFF  }
0xbc: {  	s28 =	simm.s32 $_size_execute0_lowered;
	s5 =	sadd.s32 s5, s7;
	[dreg:$0x0] =	wrdreg $0x0  }
0xbd: {  	s7 =	sshll.u32 s28, $0x1;
	[dreg:$0x2] =	wrdreg s5  }
0xbe: {  	[dreg:$0x3] =	wrdreg s7  }
0xbf: {  	[dreg:$0x4] =	wrdreg $0xC0  }
0xc0: {  	_ =	task [dreg:s22], $0x5FFFF  }
0xc1: {  	[dreg:$0x1] =	wrdreg $0xFFFFFFFF  }
0xc2: {  	[dreg:$0x0] =	wrdreg $0x60  }
0xc3: {  	[dreg:$0x2] =	wrdreg s17  }
0xc4: {  	[dreg:$0x3] =	wrdreg s24  }
0xc5: {  	[dreg:$0x4] =	wrdreg s18  }
0xc6: {  	[dreg:$0x5] =	wrdreg $0xB2800  }
0xc7: {  	[dreg:$0x6] =	wrdreg $0x9  }
0xc8: {  	_ =	task.clear_ibuf [dreg:s22], $0x7FFFF;
	_ =	strace $0x90000049  }
0xc9: {  	s29 =	simm.s32 $0x9;
	_ =	strace $0x8000004B  }
0xca: {  	_ =	swait.ge [sflag:s29], $0x1  }
0xcb: {  	[sflag:s29] =	ssyncadd.s32 $0xFFFFFFFF  }
0xcc: {  	_ =	strace $0x9000004B  }
0xcd: {  	_ =	sfence  }
0xce: {  	s30 =	sld [smem:$0x0];
	_ =	sdelay $0x2  }
0xcf: {  	s31 =	sshll.u32 s1, $0xD;
	s1 =	sshrl.u32 s1, $0x2  }
0xd0: {  	s4 =	sand.u32 $0x4000, s31;
	s1 =	sadd.s32 s1, s30  }
0xd1: {  	s0 =	sor.u32 s4, s0;
	s1 =	sshll.u32 s1, $0x11  }
0xd2: {  	s0 =	sor.u32 s1, s0  }
0xd3: {  	s0 =	sadd.s32 $0x8F2B, s0  }
0xd4: {  	[sflag:s0] =	ssyncadd.remote.s32 $0x1  }
0xd5: {  	_ =	sfence.sel $0xFFFF  }
0xd6: {  	[dreg:$0x0] =	wrdreg $0xFFFFFFFF;
	(pc) =	sbr.abs _section_cstart, $3  }
0xd7: {  	[dreg:$0x1] =	wrdreg $0xFFFFFFFF  }
0xd8: {  	_ =	task.clear_ibuf [dreg:s22], $0x2FFFF;
	_ =	strace $0x9FFFFFFF  }
0xd9: {  	(tm) =	ssettm $0x7FFFFFFF  }
tec
execute0_lowered:
.L_overlay_start_1:
0x0: {  	(tag) =	ssettag $0x1  }
0x1: {  	s0 =	rddreg [dreg:$0x0]  }
0x2: {  	s2 =	rddreg [dreg:$0x1]  }
0x3: {  	s1 =	rddreg [dreg:$0x2]  }
0x4: {  	s4 =	srdreg.scid;
	s17 =	stileid.u32  }
0x5: {  	s3 =	rddreg [dreg:$0x3];
	s25 =	simm.s32 $0x980;
	s10 =	simm.s32 $0x1980  }
0x6: {  	s11 =	simm.s32 $0x2180;
	s12 =	simm.s32 $0x2980;
	s13 =	simm.s32 $0x80  }
0x7: {  	s14 =	simm.s32 $0x3180;
	s15 =	simm.s32 $0x3980;
	s16 =	simm.s32 $0x4180  }
0x8: {  	s28 =	simm.s32 $0x9280;
	s29 =	simm.s32 $0x9180;
	s30 =	simm.s32 $0x30  }
0x9: {  	s31 =	simm.s32 $0x9200;
	[dreg:$0x5] =	wrdreg s1;
	s5 =	sand.u32 $0x1, s4  }
0xa: {  	s6 =	sshll.u32 s17, $0x1;
	s4 =	simm.s32 $0x0;
	s8 =	sadd.s32 $0x2800, s2  }
0xb: {  	s26 =	sshll.u32 s17, $0xD;
	s17 =	simm.s32 $0x4980;
	s6 =	sor.u32 s5, s6  }
0xc: {  	[smem:$0x7FF] =	sst s4;
	s5 =	ssub.s32 $0x2, s5;
	s7 =	smul.u32 $0x90, s6  }
0xd: {  	_ =	strace $0x8000004A;
	s9 =	smul.u32 $0x1200, s6;
	[dreg:$0x6] =	wrdreg s8  }
0xe: {  	s6 =	sshll.u32 s6, $0xA;
	s21 =	sshrl.u32 s5, $0x1;
	s8 =	simm.s32 $0x180  }
0xf: {  	[dreg:$0xc] =	wrdreg s25;
	s25 =	simm.s32 $0x8180;
	s23 =	ssub.s32 s5, s21  }
0x10: {  	v0 =	vmov s26;
	s5 =	sadd.s32 s26, s3;
	s21 =	simm.s32 $0x6180;
	s26 =	simm.s32 $0x8980  }
0x11: {  	s7 =	sshrl.u32 s7, $0x3;
	s18 =	sadd.s32 s9, s2;
	s9 =	simm.s32 $0x1180  }
0x12: {  	s7 =	sadd.s32 s7, s2;
	s2 =	sadd.s32 s6, s2;
	s24 =	sadd.s32 $0x37000, s18  }
0x13: {  	s6 =	smax.u32 s23, $0x1;
	s19 =	sadd.s32 $0x2EC00, s7;
	[dreg:$0xb] =	wrdreg s24  }
0x14: {  	s18 =	simm.s32 $0x5180;
	s20 =	sadd.s32 $0x2EC06, s7;
	[dreg:$0x7] =	wrdreg s19  }
0x15: {  	s23 =	simm.s32 $0x7180;
	s22 =	sadd.s32 $0x2EC0C, s7;
	[dreg:$0x8] =	wrdreg s20  }
0x16: {  	v3 =	vlaneseq.u32;
	s2 =	sadd.s32 $0x2F000, s2;
	s7 =	simm.s32 $0x2;
	[dreg:$0x9] =	wrdreg s22  }
0x17: {  	vm0 =	vmmov $0xffff;
	v2 =	vshrl.u32 v3, $0x3;
	s24 =	simm.s32 $0x7980;
	[dreg:$0xa] =	wrdreg s2;
	s19 =	simm.s32 $0x5980  }
0x18: {  	v1 =	vand.u32 $0x7, v3;
	v3 =	vor.u32 $0x8, v3;
	v2 =	vmul.u32 $0x8, v2;
	s20 =	simm.s32 $0x100;
	s22 =	simm.s32 $0x6980;
	s2 =	simm.s32 $0x1  }
.LBB2_1:
0x19: {  	s1 =	rddreg [dreg:$0x7]  }
0x1a: {  	[tilespmem:s4], [sflag:$0x2] =	stream.linear.gather [hbm4b:s1+s4], $0x30, $0x38;
	[tilespmem:$0xD280] =	vst v63  }
0x1b: {  	_ =	swait.ge [sflag:s7], $0x30  }
0x1c: {  	[sflag:s7] =	ssyncset.done $0x0  }
0x1d: {  	[sflag:s7] =	ssyncadd.s32 $0xFFFFFFD0  }
0x1e: {  	v4 =	vld [tilespmem:$0x0];
	_ =	sdelay $0x4  }
0x1f: {  	v5 =	vshll.u32 v4, $0x1  }
0x20: {  	v4 =	vand.u32 $0x7, v4;
	v5 =	vand.u32 $0xFFFFFFF0, v5  }
0x21: {  	v4 =	vor.u32 v4, v5  }
0x22: {  	v5 =	vperm.xlane v4, v1;
	_ =	sdelay $0x1  }
0x23: {  	v4 =	vperm.xlane v4, v3;
	v5 =	vadd.s32 v2, v5;
	_ =	sdelay $0x1  }
0x24: {  	v4 =	vadd.s32 v2, v4;
	_ =	sdelay $0x2  }
0x25: {  	[tilespmem:s8], [sflag:$0x1] =	stream.indirect_vreg.gather [hbm4b:s0+s4], $0x80, v5, vm0, $0xb8;
	[tilespmem:$0xD280] =	vst v63  }
0x26: {  	s1 =	rddreg [dreg:$0xc]  }
0x27: {  	[tilespmem:s1], [sflag:$0x1] =	stream.indirect_vreg.gather [hbm4b:s0+s4], $0x80, v4, vm0, $0xb8;
	[tilespmem:$0xD280] =	vst v63  }
0x28: {  	v4 =	vld [tilespmem:$0x10];
	_ =	sdelay $0x4  }
0x29: {  	v5 =	vshll.u32 v4, $0x1  }
0x2a: {  	v4 =	vand.u32 $0x7, v4;
	v5 =	vand.u32 $0xFFFFFFF0, v5  }
0x2b: {  	v4 =	vor.u32 v4, v5  }
0x2c: {  	v5 =	vperm.xlane v4, v1;
	_ =	sdelay $0x1  }
0x2d: {  	v4 =	vperm.xlane v4, v3;
	v5 =	vadd.s32 v2, v5;
	_ =	sdelay $0x1  }
0x2e: {  	v4 =	vadd.s32 v2, v4;
	_ =	sdelay $0x2  }
0x2f: {  	[tilespmem:s9], [sflag:$0x1] =	stream.indirect_vreg.gather [hbm4b:s0+s4], $0x80, v5, vm0, $0xb8;
	[tilespmem:$0xD280] =	vst v63  }
0x30: {  	_ = 	snop  }
0x31: {  	[tilespmem:s10], [sflag:$0x1] =	stream.indirect_vreg.gather [hbm4b:s0+s4], $0x80, v4, vm0, $0xb8;
	[tilespmem:$0xD280] =	vst v63  }
0x32: {  	v4 =	vld [tilespmem:$0x20];
	_ =	sdelay $0x4  }
0x33: {  	v5 =	vshll.u32 v4, $0x1  }
0x34: {  	v4 =	vand.u32 $0x7, v4;
	v5 =	vand.u32 $0xFFFFFFF0, v5  }
0x35: {  	v4 =	vor.u32 v4, v5  }
0x36: {  	v5 =	vperm.xlane v4, v1;
	_ =	sdelay $0x1  }
0x37: {  	v4 =	vperm.xlane v4, v3;
	v5 =	vadd.s32 v2, v5;
	_ =	sdelay $0x1  }
0x38: {  	v4 =	vadd.s32 v2, v4;
	_ =	sdelay $0x2  }
0x39: {  	[tilespmem:s11], [sflag:$0x1] =	stream.indirect_vreg.gather [hbm4b:s0+s4], $0x80, v5, vm0, $0xb8;
	[tilespmem:$0xD280] =	vst v63  }
0x3a: {  	_ = 	snop  }
0x3b: {  	[tilespmem:s12], [sflag:$0x1] =	stream.indirect_vreg.gather [hbm4b:s0+s4], $0x80, v4, vm0, $0xb8;
	[tilespmem:$0xD280] =	vst v63  }
0x3c: {  	s1 =	rddreg [dreg:$0x8]  }
0x3d: {  	[tilespmem:s13], [sflag:$0x2] =	stream.linear.gather [hbm4b:s1+s4], $0x30, $0x38;
	[tilespmem:$0xD280] =	vst v63  }
0x3e: {  	_ =	swait.ge [sflag:s7], $0x30  }
0x3f: {  	[sflag:s7] =	ssyncset.done $0x0  }
0x40: {  	[sflag:s7] =	ssyncadd.s32 $0xFFFFFFD0  }
0x41: {  	v4 =	vld [tilespmem:$0x80];
	_ =	sdelay $0x4  }
0x42: {  	v5 =	vshll.u32 v4, $0x1  }
0x43: {  	v4 =	vand.u32 $0x7, v4;
	v5 =	vand.u32 $0xFFFFFFF0, v5  }
0x44: {  	v4 =	vor.u32 v4, v5  }
0x45: {  	v5 =	vperm.xlane v4, v1;
	_ =	sdelay $0x1  }
0x46: {  	v4 =	vperm.xlane v4, v3;
	v5 =	vadd.s32 v2, v5;
	_ =	sdelay $0x1  }
0x47: {  	v4 =	vadd.s32 v2, v4;
	_ =	sdelay $0x2  }
0x48: {  	[tilespmem:s14], [sflag:$0x1] =	stream.indirect_vreg.gather [hbm4b:s0+s4], $0x80, v5, vm0, $0xb8;
	[tilespmem:$0xD280] =	vst v63  }
0x49: {  	_ = 	snop  }
0x4a: {  	[tilespmem:s15], [sflag:$0x1] =	stream.indirect_vreg.gather [hbm4b:s0+s4], $0x80, v4, vm0, $0xb8;
	[tilespmem:$0xD280] =	vst v63  }
0x4b: {  	v4 =	vld [tilespmem:$0x90];
	_ =	sdelay $0x4  }
0x4c: {  	v5 =	vshll.u32 v4, $0x1  }
0x4d: {  	v4 =	vand.u32 $0x7, v4;
	v5 =	vand.u32 $0xFFFFFFF0, v5  }
0x4e: {  	v4 =	vor.u32 v4, v5  }
0x4f: {  	v5 =	vperm.xlane v4, v1;
	_ =	sdelay $0x1  }
0x50: {  	v4 =	vperm.xlane v4, v3;
	v5 =	vadd.s32 v2, v5;
	_ =	sdelay $0x1  }
0x51: {  	v4 =	vadd.s32 v2, v4;
	_ =	sdelay $0x2  }
0x52: {  	[tilespmem:s16], [sflag:$0x1] =	stream.indirect_vreg.gather [hbm4b:s0+s4], $0x80, v5, vm0, $0xb8;
	[tilespmem:$0xD280] =	vst v63  }
0x53: {  	_ = 	snop  }
0x54: {  	[tilespmem:s17], [sflag:$0x1] =	stream.indirect_vreg.gather [hbm4b:s0+s4], $0x80, v4, vm0, $0xb8;
	[tilespmem:$0xD280] =	vst v63  }
0x55: {  	v4 =	vld [tilespmem:$0xA0];
	_ =	sdelay $0x4  }
0x56: {  	v5 =	vshll.u32 v4, $0x1  }
0x57: {  	v4 =	vand.u32 $0x7, v4;
	v5 =	vand.u32 $0xFFFFFFF0, v5  }
0x58: {  	v4 =	vor.u32 v4, v5  }
0x59: {  	v5 =	vperm.xlane v4, v1;
	_ =	sdelay $0x1  }
0x5a: {  	v4 =	vperm.xlane v4, v3;
	v5 =	vadd.s32 v2, v5;
	_ =	sdelay $0x1  }
0x5b: {  	v4 =	vadd.s32 v2, v4;
	_ =	sdelay $0x2  }
0x5c: {  	[tilespmem:s18], [sflag:$0x1] =	stream.indirect_vreg.gather [hbm4b:s0+s4], $0x80, v5, vm0, $0xb8;
	[tilespmem:$0xD280] =	vst v63  }
0x5d: {  	_ = 	snop  }
0x5e: {  	[tilespmem:s19], [sflag:$0x1] =	stream.indirect_vreg.gather [hbm4b:s0+s4], $0x80, v4, vm0, $0xb8;
	[tilespmem:$0xD280] =	vst v63  }
0x5f: {  	s1 =	rddreg [dreg:$0x9]  }
0x60: {  	[tilespmem:s20], [sflag:$0x2] =	stream.linear.gather [hbm4b:s1+s4], $0x30, $0x38;
	[tilespmem:$0xD280] =	vst v63  }
0x61: {  	_ =	swait.ge [sflag:s7], $0x30  }
0x62: {  	[sflag:s7] =	ssyncset.done $0x0  }
0x63: {  	[sflag:s7] =	ssyncadd.s32 $0xFFFFFFD0  }
0x64: {  	v4 =	vld [tilespmem:$0x100];
	_ =	sdelay $0x4  }
0x65: {  	v5 =	vshll.u32 v4, $0x1  }
0x66: {  	v4 =	vand.u32 $0x7, v4;
	v5 =	vand.u32 $0xFFFFFFF0, v5  }
0x67: {  	v4 =	vor.u32 v4, v5  }
0x68: {  	v5 =	vperm.xlane v4, v1;
	_ =	sdelay $0x1  }
0x69: {  	v4 =	vperm.xlane v4, v3;
	v5 =	vadd.s32 v2, v5;
	_ =	sdelay $0x1  }
0x6a: {  	v4 =	vadd.s32 v2, v4;
	_ =	sdelay $0x2  }
0x6b: {  	[tilespmem:s21], [sflag:$0x1] =	stream.indirect_vreg.gather [hbm4b:s0+s4], $0x80, v5, vm0, $0xb8;
	[tilespmem:$0xD280] =	vst v63  }
0x6c: {  	_ = 	snop  }
0x6d: {  	[tilespmem:s22], [sflag:$0x1] =	stream.indirect_vreg.gather [hbm4b:s0+s4], $0x80, v4, vm0, $0xb8;
	[tilespmem:$0xD280] =	vst v63  }
0x6e: {  	v4 =	vld [tilespmem:$0x110];
	_ =	sdelay $0x4  }
0x6f: {  	v5 =	vshll.u32 v4, $0x1  }
0x70: {  	v4 =	vand.u32 $0x7, v4;
	v5 =	vand.u32 $0xFFFFFFF0, v5  }
0x71: {  	v4 =	vor.u32 v4, v5  }
0x72: {  	v5 =	vperm.xlane v4, v1;
	_ =	sdelay $0x1  }
0x73: {  	v4 =	vperm.xlane v4, v3;
	v5 =	vadd.s32 v2, v5;
	_ =	sdelay $0x1  }
0x74: {  	v4 =	vadd.s32 v2, v4;
	_ =	sdelay $0x2  }
0x75: {  	[tilespmem:s23], [sflag:$0x1] =	stream.indirect_vreg.gather [hbm4b:s0+s4], $0x80, v5, vm0, $0xb8;
	[tilespmem:$0xD280] =	vst v63  }
0x76: {  	_ = 	snop  }
0x77: {  	[tilespmem:s24], [sflag:$0x1] =	stream.indirect_vreg.gather [hbm4b:s0+s4], $0x80, v4, vm0, $0xb8;
	[tilespmem:$0xD280] =	vst v63  }
0x78: {  	v4 =	vld [tilespmem:$0x120];
	_ =	sdelay $0x4  }
0x79: {  	v5 =	vshll.u32 v4, $0x1  }
0x7a: {  	v4 =	vand.u32 $0x7, v4;
	v5 =	vand.u32 $0xFFFFFFF0, v5  }
0x7b: {  	v4 =	vor.u32 v4, v5  }
0x7c: {  	v5 =	vperm.xlane v4, v1;
	_ =	sdelay $0x1  }
0x7d: {  	v4 =	vperm.xlane v4, v3;
	v5 =	vadd.s32 v2, v5;
	_ =	sdelay $0x1  }
0x7e: {  	v4 =	vadd.s32 v2, v4;
	_ =	sdelay $0x2  }
0x7f: {  	[tilespmem:s25], [sflag:$0x1] =	stream.indirect_vreg.gather [hbm4b:s0+s4], $0x80, v5, vm0, $0xb8;
	[tilespmem:$0xD280] =	vst v63  }
0x80: {  	_ = 	snop  }
0x81: {  	[tilespmem:s26], [sflag:$0x1] =	stream.indirect_vreg.gather [hbm4b:s0+s4], $0x80, v4, vm0, $0xb8;
	[tilespmem:$0xD280] =	vst v63  }
0x82: {  	s1 =	rddreg [dreg:$0x6]  }
0x83: {  	[tilespmem:s28], [sflag:$0x2] =	stream.linear.gather [hbm4b:s1+s4], $0x2000, $0x38;
	[tilespmem:$0xD280] =	vst v63  }
0x84: {  	_ =	swait.ge [sflag:s7], $0x2000  }
0x85: {  	[sflag:s7] =	ssyncset.done $0x0  }
0x86: {  	[sflag:s7] =	ssyncadd.s32 $0xFFFFE000  }
0x87: {  	[spmem:s5] =	stream.linear.scatter [tilespmem:s28], [sflag:$0x2], $0x2000, $0x38;
	[tilespmem:$0xD280] =	vst v63  }
0x88: {  	_ =	swait.ge [sflag:s7], $0x2000  }
0x89: {  	[sflag:s7] =	ssyncset.done $0x0  }
0x8a: {  	s1 =	rddreg [dreg:$0x5];
	[sflag:s7] =	ssyncadd.s32 $0xFFFFE000  }
0x8b: {  	[tilespmem:s29], [sflag:$0x2] =	stream.linear.gather [hbm4b:s1+s4], $0x80, $0x38;
	[tilespmem:$0xD280] =	vst v63  }
0x8c: {  	_ =	swait.ge [sflag:s7], $0x80  }
0x8d: {  	[sflag:s7] =	ssyncset.done $0x0  }
0x8e: {  	[sflag:s7] =	ssyncadd.s32 $0xFFFFFF80  }
0x8f: {  	v4 =	vld [tilespmem:$0x0]  }
0x90: {  	v5 =	vld [tilespmem:$0x10]  }
0x91: {  	v6 =	vld [tilespmem:$0x20];
	_ =	sdelay $0x2  }
0x92: {  	v4 =	vadd.s32 v0, v4  }
0x93: {  	[tilespmem:$0x9200] =	vst v4;
	v4 =	vadd.s32 v0, v5  }
0x94: {  	[tilespmem:$0x9210] =	vst v4;
	v4 =	vadd.s32 v0, v6  }
0x95: {  	[tilespmem:$0x9220] =	vst v4  }
0x96: {  	[spmem:s3] =	stream.indirect.scatter.add.f32 [tilespmem:s29], [sflag:$0x2], $0x1, s31, s30, $0xb8;
	[tilespmem:$0xD280] =	vst v63  }
0x97: {  	_ =	swait.ge [sflag:s7], $0x30  }
0x98: {  	[sflag:s7] =	ssyncset.done $0x0  }
0x99: {  	[sflag:s7] =	ssyncadd.s32 $0xFFFFFFD0  }
0x9a: {  	v4 =	vld [tilespmem:$0x80]  }
0x9b: {  	v5 =	vld [tilespmem:$0x90]  }
0x9c: {  	v62 =	vld [tilespmem:$0xA0];
	_ =	sdelay $0x2  }
0x9d: {  	v4 =	vadd.s32 v0, v4  }
0x9e: {  	[tilespmem:$0x9200] =	vst v4;
	v4 =	vadd.s32 v0, v5  }
0x9f: {  	[tilespmem:$0x9210] =	vst v4;
	v4 =	vadd.s32 v0, v62  }
0xa0: {  	[tilespmem:$0x9220] =	vst v4  }
0xa1: {  	[spmem:s3] =	stream.indirect.scatter.add.f32 [tilespmem:s29], [sflag:$0x2], $0x1, s31, s30, $0xb8;
	[tilespmem:$0xD280] =	vst v63  }
0xa2: {  	_ =	swait.ge [sflag:s7], $0x30  }
0xa3: {  	[sflag:s7] =	ssyncset.done $0x0  }
0xa4: {  	[sflag:s7] =	ssyncadd.s32 $0xFFFFFFD0  }
0xa5: {  	v4 =	vld [tilespmem:$0x100]  }
0xa6: {  	v5 =	vld [tilespmem:$0x110]  }
0xa7: {  	v63 =	vld [tilespmem:$0x120];
	_ =	sdelay $0x2  }
0xa8: {  	v4 =	vadd.s32 v0, v4  }
0xa9: {  	[tilespmem:$0x9200] =	vst v4;
	v4 =	vadd.s32 v0, v5  }
0xaa: {  	[tilespmem:$0x9210] =	vst v4;
	v4 =	vadd.s32 v0, v63  }
0xab: {  	[tilespmem:$0x9220] =	vst v4  }
0xac: {  	[spmem:s3] =	stream.indirect.scatter.add.f32 [tilespmem:s29], [sflag:$0x2], $0x1, s31, s30, $0xb8;
	[tilespmem:$0xD280] =	vst v63  }
0xad: {  	_ =	swait.ge [sflag:s7], $0x30  }
0xae: {  	[sflag:s7] =	ssyncset.done $0x0  }
0xaf: {  	[sflag:s7] =	ssyncadd.s32 $0xFFFFFFD0  }
0xb0: {  	[tilespmem:s28], [sflag:$0x2] =	stream.linear.gather [spmem:s5], $0x2000, $0x38;
	[tilespmem:$0xD280] =	vst v63  }
0xb1: {  	_ =	swait.ge [sflag:s7], $0x2000  }
0xb2: {  	[sflag:s7] =	ssyncset.done $0x0  }
0xb3: {  	s1 =	rddreg [dreg:$0xa];
	[sflag:s7] =	ssyncadd.s32 $0xFFFFE000  }
0xb4: {  	[hbm4b:s1+s4] =	stream.linear.scatter [tilespmem:s28], [sflag:$0x2], $0x2000, $0x38;
	[tilespmem:$0xD280] =	vst v63  }
0xb5: {  	_ =	swait.ge [sflag:s7], $0x2000  }
0xb6: {  	[sflag:s7] =	ssyncset.done $0x0  }
0xb7: {  	[sflag:s7] =	ssyncadd.s32 $0xFFFFE000  }
0xb8: {  	_ =	swait.ge [sflag:s2], $0x3000  }
0xb9: {  	[sflag:s2] =	ssyncset.done $0x0  }
0xba: {  	[sflag:s2] =	ssyncadd.s32 $0xFFFFD000  }
0xbb: {  	_ =	swait.ge [sflag:s2], $0x3000  }
0xbc: {  	[sflag:s2] =	ssyncset.done $0x0  }
0xbd: {  	[sflag:s2] =	ssyncadd.s32 $0xFFFFD000  }
0xbe: {  	_ =	swait.ge [sflag:s2], $0x3000  }
0xbf: {  	p0 =	sne.s32 s6, $0x1;
	[sflag:s2] =	ssyncset.done $0x0  }
.Ltmp0:
0xc0: {  	s1 =	rddreg [dreg:$0xb];
	[sflag:s2] =	ssyncadd.s32 $0xFFFFD000;
	(pc) =	sbr.rel @p0 .LBB2_1-.Ltmp0, $4  }
0xc1: {  	[hbm4b:s1+s4] =	stream.linear.scatter [tilespmem:s8], [sflag:$0x2], $0x9000, $0x38;
	[tilespmem:$0xD280] =	vst v63  }
0xc2: {  	_ =	swait.ge [sflag:s7], $0x9000  }
0xc3: {  	[sflag:s7] =	ssyncset.done $0x0  }
0xc4: {  	s6 =	sadd.s32 $0xFFFFFFFF, s6;
	[sflag:s7] =	ssyncadd.s32 $0xFFFF7000  }
0xc5: {  	_ =	sfence.sel $0x180000  }
0xc6: {  	[bflag:$0x0] =	sbarrier.arrive $0xFFFF  }
0xc7: {  	_ =	strace $0x9000004A  }
0xc8: {  	s0 =	stileid.u32;
	[bflag:$0x2] =	sbarrier.arrive $0xFFFF  }
0xc9: {  	p0 =	sne.s32 s0, $0x0;
	s0 =	rddreg [dreg:$0x4]  }
0xca: {  	s0 =	sadd.s32 @!p0 $0x100000, s0  }
0xcb: {  	[sflag:s0] =	ssyncadd.tile.s32 @!p0 $0x1;
	_ =	shalt  }
.Lfunc_end2:
_tile_overlayer_lowered:
.L_overlay_start_2:
0xcc: {  	(tag) =	ssettag $0x2  }
0xcd: {  	s0 =	rddreg [dreg:$0x0];
	s2 =	stileid.u32  }
0xce: {  	s1 =	rddreg [dreg:$0x1];
	p0 =	sne.s32 s2, $0x0  }
0xcf: {  	s3 =	rddreg [dreg:$0x2];
	[bflag:$0x3] =	sbarrier.arrive $0xFFFF;
	s2 =	simm.s32 @!p0 $0x1C02  }
0xd0: {  	[timem:s3], [sflag:s2] =	dma.local @!p0 [hbm:s0], s1  }
0xd1: {  	s0 =	simm.s32 @!p0 $0x2  }
0xd2: {  	_ =	swait.ge @!p0 [sflag:s0], s1  }
0xd3: {  	s1 =	ssub.s32 @!p0 $0x0, s1;
	[sflag:s0] =	ssyncset.done @!p0 $0x0  }
0xd4: {  	[sflag:s0] =	ssyncadd.s32 @!p0 s1  }
0xd5: {  	[bflag:$0x3] =	sbarrier.arrive $0xFFFF  }
0xd6: {  	_ =	shalt  }

</sc_bundles>
